<compile_context>
chip_gen: v7x
topology: tpu7x:2x2x1
jax: 0.10.2.dev20260603
libtpu: 0.0.44.dev20260713+nightly
codegen_flags: <defaults>
</compile_context>

<pallas_src>
import functools

import jax
import jax.numpy as jnp
from jax import lax
from jax.experimental import pallas as pl
from jax.experimental.pallas import tpu as pltpu
from jax.experimental.pallas import tpu_sc as plsc

NCLS = 21
NB = 16
NPIX = 512 * 512
ROWS = NB * NPIX // 128
SROWS = NPIX // 128
WROWS = SROWS // 2
CR = 128
NCH = WROWS // CR
HWORDS = 512
PWORDS = WROWS * 32

_mesh = plsc.VectorSubcoreMesh(core_axis_name="c", subcore_axis_name="s")


@functools.partial(
    pl.kernel,
    out_type=jax.ShapeDtypeStruct((ROWS, 128), jnp.float32),
    mesh=_mesh,
    compiler_params=pltpu.CompilerParams(needs_layout_passes=False),
    scratch_types=[
        pltpu.VMEM((CR, 128), jnp.int32),
        pltpu.VMEM((CR, 128), jnp.int32),
        pltpu.VMEM((CR, 128), jnp.float32),
        pltpu.VMEM((CR, 128), jnp.float32),
        pltpu.VMEM((PWORDS,), jnp.int32),
        pltpu.VMEM((HWORDS,), jnp.float32),
        pltpu.VMEM((HWORDS,), jnp.float32),
        pltpu.VMEM((32,), jnp.float32),
        pltpu.VMEM_SHARED((16 * HWORDS,), jnp.float32),
        pltpu.SemaphoreType.DMA,
        pltpu.SemaphoreType.DMA,
        pltpu.SemaphoreType.DMA,
        pltpu.SemaphoreType.DMA,
    ],
)
def _sc_weight_map(mask_hbm, out_hbm, buf0, buf1, obuf0, obuf1,
                   pbuf, hist, hist2, wtab, shist,
                   semi0, semi1, semo0, semo1):
    c = lax.axis_index("c")
    s = lax.axis_index("s")
    b = c * 8 + s // 2
    rbase = b * SROWS + (s % 2) * WROWS

    lane = lax.iota(jnp.int32, 16)
    zeros = jnp.zeros((16,), jnp.float32)
    ones = jnp.ones((16,), jnp.float32)

    bufs = [buf0, buf1]
    obufs = [obuf0, obuf1]
    semis = [semi0, semi1]
    semos = [semo0, semo1]

    def row0(ci):
        return rbase + ci * CR

    def _z(k, carry):
        hist[pl.ds(16 * k, 16)] = zeros
        return carry

    lax.fori_loop(0, 32, _z, 0)

    cps = [
        pltpu.async_copy(mask_hbm.at[pl.ds(row0(0), CR), :], buf0, semi0),
        pltpu.async_copy(mask_hbm.at[pl.ds(row0(1), CR), :], buf1, semi1),
    ]
    def _p1_pair(j, carry):
        for k in range(2):
            ci = j * 2 + k
            pltpu.make_async_copy(
                mask_hbm.at[pl.ds(row0(0), CR), :], bufs[k], semis[k]).wait()
            buf = bufs[k]
            pbase = ci * (CR * 32)

            @plsc.parallel_loop(0, CR, step=1, unroll=1)
            def _h(r):
                for u in range(2):
                    vs = []
                    for t in range(4):
                        v = buf[r, pl.ds(u * 64 + t * 16, 16)]
                        plsc.addupdate_scatter(hist, [v * 16 + lane], ones)
                        vs.append(v)
                    packed = (vs[0] | (vs[1] << 8)) | (
                        (vs[2] << 16) | (vs[3] << 24))
                    pbuf[pl.ds(pbase + r * 32 + u * 16, 16)] = packed

            @pl.when(j < NCH // 2 - 1)
            def _():
                pltpu.async_copy(
                    mask_hbm.at[pl.ds(row0(ci + 2), CR), :],
                    bufs[k], semis[k])

        return carry

    lax.fori_loop(0, NCH // 2, _p1_pair, 0)

    pltpu.sync_copy(hist, shist.at[pl.ds(s * HWORDS, HWORDS)])
    plsc.subcore_barrier()
    pltpu.sync_copy(shist.at[pl.ds((s ^ 1) * HWORDS, HWORDS)], hist2)

    cls0 = lane * 16
    cls1 = (lane + 16) * 16
    def _red(l, carry):
        c0, c1 = carry
        c0 = c0 + plsc.load_gather(hist, [cls0 + l])
        c0 = c0 + plsc.load_gather(hist2, [cls0 + l])
        c1 = c1 + plsc.load_gather(hist, [cls1 + l])
        c1 = c1 + plsc.load_gather(hist2, [cls1 + l])
        return (c0, c1)

    cnt0, cnt1 = lax.fori_loop(0, 16, _red, (zeros, zeros))

    inv0 = jnp.where(cnt0 > 0.0, ones / jnp.maximum(cnt0, 1.0), zeros)
    inv1 = jnp.where(cnt1 > 0.0, ones / jnp.maximum(cnt1, 1.0), zeros)
    denom = lax.broadcast(jnp.sum(inv0 + inv1), (16,))
    wtab[pl.ds(0, 16)] = inv0 / denom
    wtab[pl.ds(16, 16)] = inv1 / denom

    mask255 = jnp.full((16,), 255, jnp.int32)

    def _p2_pair(j, carry):
        for k in range(2):
            ci = j * 2 + k
            obuf = obufs[k]

            @pl.when(j > 0)
            def _():
                pltpu.make_async_copy(
                    obuf, out_hbm.at[pl.ds(row0(0), CR), :], semos[k]).wait()

            pbase = ci * (CR * 32)

            @plsc.parallel_loop(0, CR, step=1, unroll=1)
            def _g(r):
                for u in range(2):
                    packed = pbuf[pl.ds(pbase + r * 32 + u * 16, 16)]
                    b0 = packed & mask255
                    b1 = (packed >> 8) & mask255
                    b2 = (packed >> 16) & mask255
                    b3 = packed >> 24
                    for t, vv in enumerate((b0, b1, b2, b3)):
                        obuf[r, pl.ds(u * 64 + t * 16, 16)] = (
                            plsc.load_gather(wtab, [vv]))

            pltpu.async_copy(
                obuf, out_hbm.at[pl.ds(row0(ci), CR), :], semos[k])

        return carry

    lax.fori_loop(0, NCH // 2, _p2_pair, 0)
    for k in range(2):
        pltpu.make_async_copy(
            obufs[k], out_hbm.at[pl.ds(row0(0), CR), :], semos[k]).wait()


def kernel(inputs):
    mask = inputs.astype(jnp.int32).reshape(ROWS, 128)
    out = _sc_weight_map(mask)
    return out.reshape(NB, 512, 512, 1)

# --- scband reference (transcript-rebuilt; emitter-appended) ---
"""Pipeline reference for scband-sample-weight-6914897347074 (READ-ONLY COPY).

The authoritative reference and input builder live on the scoring server;
editing this copy changes nothing except your own understanding.
"""

import jax, jax.numpy as jnp
import numpy as np

NUM_CLASSES = 21
B, H, W, C = 16, 512, 512, 1


def setup_inputs(seed: int = 0) -> dict:
    key = jax.random.key(seed)
    mask = jax.random.randint(key, (B, H, W, C), 0, NUM_CLASSES, dtype=jnp.int32)
    return {"inputs": mask}


def _single_sample_weight_map(m):
    # m: int32[H, W, 1]
    flat = m.reshape(-1)
    class_counts = jnp.bincount(flat, length=NUM_CLASSES).astype(jnp.float32)
    present = class_counts > 0
    safe_counts = jnp.where(present, class_counts, 1.0)
    inv_freq = jnp.where(present, 1.0 / safe_counts, 0.0)
    norm_weights = inv_freq / jnp.sum(inv_freq)
    # gather normalized inverse-frequency weight per pixel
    weight_map = jnp.take(norm_weights, m, axis=0)
    return weight_map


def reference(inputs):
    # Layer call with training=True and active=True -> _compute_weights path.
    # inputs is batched [B, H, W, 1]; map the per-sample weight computation.
    mask = inputs.astype(jnp.int32)
    return jax.vmap(_single_sample_weight_map)(mask)

if __name__ == "__main__":
    import jax
    _d = setup_inputs()
    print(jax.jit(kernel)(*tuple(_d.values())))

</pallas_src>

<mosaic_0001>
#map = affine_map<(d0, d1) -> (0, 0)>
module attributes {stable_mosaic.version = 14 : i64} {
  func.func @_sc_weight_map(%arg0: i32, %arg1: i32, %arg2: memref<32768x128xi32, #tpu.memory_space<hbm>>, %arg3: memref<32768x128xf32, #tpu.memory_space<hbm>>, %arg4: memref<128x128xi32, #tpu.memory_space<vmem>>, %arg5: memref<128x128xi32, #tpu.memory_space<vmem>>, %arg6: memref<128x128xf32, #tpu.memory_space<vmem>>, %arg7: memref<128x128xf32, #tpu.memory_space<vmem>>, %arg8: memref<32768xi32, #tpu.memory_space<vmem>>, %arg9: memref<512xf32, #tpu.memory_space<vmem>>, %arg10: memref<512xf32, #tpu.memory_space<vmem>>, %arg11: memref<32xf32, #tpu.memory_space<vmem>>, %arg12: memref<8192xf32, #tpu.memory_space<vmem_shared>>, %arg13: memref<!tpu.dma_semaphore, #tpu.memory_space<semaphore_mem>>, %arg14: memref<!tpu.dma_semaphore, #tpu.memory_space<semaphore_mem>>, %arg15: memref<!tpu.dma_semaphore, #tpu.memory_space<semaphore_mem>>, %arg16: memref<!tpu.dma_semaphore, #tpu.memory_space<semaphore_mem>>) attributes {dimension_semantics = [#tpu.dimension_semantics<core_parallel>, #tpu.dimension_semantics<subcore_parallel>], iteration_bounds = array<i64: 2, 16>, scalar_prefetch = 0 : i64, scratch_operands = 13 : i64, tpu.core_type = #tpu.core_type<sc_vector_subcore>, window_params = [{transform_indices = #map}, {transform_indices = #map}]} {
    %mul3A = arith.constant 8 : i32
    %mul3A_0 = arith.muli %arg0, %mul3A : i32
    %jit3A = arith.constant 2 : i32
    %div3A = arith.divsi %arg1, %jit3A : i32
    %sign3A = arith.constant 0 : i32
    %sign3A_1 = arith.cmpi sgt, %arg1, %sign3A : i32
    %sign3A_2 = arith.extui %sign3A_1 : i1 to i32
    %sign3A_3 = arith.constant 0 : i32
    %sign3A_4 = arith.cmpi slt, %arg1, %sign3A_3 : i32
    %sign3A_5 = arith.extui %sign3A_4 : i1 to i32
    %sign3A_6 = arith.subi %sign3A_2, %sign3A_5 : i32
    %sign3A_7 = arith.constant 0 : i32
    %sign3A_8 = arith.cmpi sgt, %jit3A, %sign3A_7 : i32
    %sign3A_9 = arith.extui %sign3A_8 : i1 to i32
    %sign3A_10 = arith.constant 0 : i32
    %sign3A_11 = arith.cmpi slt, %jit3A, %sign3A_10 : i32
    %sign3A_12 = arith.extui %sign3A_11 : i1 to i32
    %sign3A_13 = arith.subi %sign3A_9, %sign3A_12 : i32
    %ne3A = arith.cmpi ne, %sign3A_6, %sign3A_13 : i32
    %rem3A = arith.remsi %arg1, %jit3A : i32
    %ne3A_14 = arith.constant 0 : i32
    %ne3A_15 = arith.cmpi ne, %rem3A, %ne3A_14 : i32
    %and3A = arith.andi %ne3A, %ne3A_15 : i1
    %sub3A = arith.constant 1 : i32
    %sub3A_16 = arith.subi %div3A, %sub3A : i32
    %select_n3A = arith.select %and3A, %sub3A_16, %div3A : i32
    %add3A = arith.addi %mul3A_0, %select_n3A : i32
    %mul3A_17 = arith.constant 2048 : i32
    %mul3A_18 = arith.muli %add3A, %mul3A_17 : i32
    %jit3A_19 = arith.constant 2 : i32
    %eq3A = arith.constant 0 : i32
    %eq3A_20 = arith.cmpi eq, %jit3A_19, %eq3A : i32
    %jit3A_21 = arith.constant 1 : i32
    %select_n3A_22 = arith.select %eq3A_20, %jit3A_21, %jit3A_19 : i32
    %rem3A_23 = arith.remsi %arg1, %select_n3A_22 : i32
    %ne3A_24 = arith.constant 0 : i32
    %ne3A_25 = arith.cmpi ne, %rem3A_23, %ne3A_24 : i32
    %lt3A = arith.constant 0 : i32
    %lt3A_26 = arith.cmpi slt, %rem3A_23, %lt3A : i32
    %lt3A_27 = arith.constant 0 : i32
    %lt3A_28 = arith.cmpi slt, %select_n3A_22, %lt3A_27 : i32
    %ne3A_29 = arith.xori %lt3A_26, %lt3A_28 : i1
    %and3A_30 = arith.andi %ne3A_29, %ne3A_25 : i1
    %add3A_31 = arith.addi %rem3A_23, %select_n3A_22 : i32
    %select_n3A_32 = arith.select %and3A_30, %add3A_31, %rem3A_23 : i32
    %mul3A_33 = arith.constant 1024 : i32
    %mul3A_34 = arith.muli %select_n3A_32, %mul3A_33 : i32
    %add3A_35 = arith.addi %mul3A_18, %mul3A_34 : i32
    %iota3A = tpu.iota {dimensions = array<i32: 0>} : vector<16xi32>
    %broadcast_in_dim3A = arith.constant 0.000000e+00 : f32
    %broadcast_in_dim3A_36 = vector.broadcast %broadcast_in_dim3A : f32 to vector<16xf32>
    %broadcast_in_dim3A_37 = arith.constant 1.000000e+00 : f32
    %broadcast_in_dim3A_38 = vector.broadcast %broadcast_in_dim3A_37 : f32 to vector<16xf32>
    %scan3A = arith.constant 0 : i32
    %scan3A_39 = arith.constant 0 : i32
    %scan3A_40 = arith.constant 32 : i32
    %scan3A_41 = arith.addi %scan3A_39, %scan3A_40 : i32
    %scan3A_42 = arith.constant 1 : i32
    scf.for %scan3A_124 = %scan3A_39 to %scan3A_41 step %scan3A_42  : i32 {
      %mul3A_125 = arith.constant 16 : i32
      %mul3A_126 = arith.muli %mul3A_125, %scan3A_124 : i32
      %swap3A_127 = arith.index_cast %mul3A_126 : i32 to index
      %swap3A_128 = tpu.vector_load %arg9[%swap3A_127] {strides = array<i32>} : memref<512xf32, #tpu.memory_space<vmem>>, vector<16xf32>,
      tpu.vector_store %arg9[%swap3A_127], %broadcast_in_dim3A_36 {strides = array<i32>} : memref<512xf32, #tpu.memory_space<vmem>>, vector<16xf32>,
    }
    %scan3A_43 = arith.constant 32 : i32
    %add3A_44 = arith.constant 0 : i32
    %add3A_45 = arith.addi %add3A_35, %add3A_44 : i32
    %dma_start3A = arith.constant 0 : i32
    %dma_start3A_46 = tpu.memref_slice %arg2[%add3A_45, %dma_start3A] : memref<32768x128xi32, #tpu.memory_space<hbm>> -> memref<128x128xi32, #tpu.memory_space<hbm>>
    %dma_start3A_47 = arith.constant 0 : i32
    %dma_start3A_48 = tpu.memref_slice %arg2[%add3A_45, %dma_start3A_47] : memref<32768x128xi32, #tpu.memory_space<hbm>> -> memref<128x128xi32, #tpu.memory_space<hbm>>
    tpu.enqueue_dma source(%dma_start3A_48 : memref<128x128xi32, #tpu.memory_space<hbm>>) target(%arg4 : memref<128x128xi32, #tpu.memory_space<vmem>>) target_semaphore(%arg13 : memref<!tpu.dma_semaphore, #tpu.memory_space<semaphore_mem>>)
    %add3A_49 = arith.constant 128 : i32
    %add3A_50 = arith.addi %add3A_35, %add3A_49 : i32
    %dma_start3A_51 = arith.constant 0 : i32
    %dma_start3A_52 = tpu.memref_slice %arg2[%add3A_50, %dma_start3A_51] : memref<32768x128xi32, #tpu.memory_space<hbm>> -> memref<128x128xi32, #tpu.memory_space<hbm>>
    %dma_start3A_53 = arith.constant 0 : i32
    %dma_start3A_54 = tpu.memref_slice %arg2[%add3A_50, %dma_start3A_53] : memref<32768x128xi32, #tpu.memory_space<hbm>> -> memref<128x128xi32, #tpu.memory_space<hbm>>
    tpu.enqueue_dma source(%dma_start3A_54 : memref<128x128xi32, #tpu.memory_space<hbm>>) target(%arg5 : memref<128x128xi32, #tpu.memory_space<vmem>>) target_semaphore(%arg14 : memref<!tpu.dma_semaphore, #tpu.memory_space<semaphore_mem>>)
    %scan3A_55 = arith.constant 0 : i32
    %scan3A_56 = arith.constant 0 : i32
    %scan3A_57 = arith.constant 4 : i32
    %scan3A_58 = arith.addi %scan3A_56, %scan3A_57 : i32
    %scan3A_59 = arith.constant 1 : i32
    scf.for %scan3A_124 = %scan3A_56 to %scan3A_58 step %scan3A_59  : i32 {
      %mul3A_125 = arith.constant 2 : i32
      %mul3A_126 = arith.muli %scan3A_124, %mul3A_125 : i32
      %add3A_127 = arith.constant 0 : i32
      %add3A_128 = arith.addi %mul3A_126, %add3A_127 : i32
      %add3A_129 = arith.constant 0 : i32
      %add3A_130 = arith.addi %add3A_35, %add3A_129 : i32
      %dma_wait3A_131 = arith.constant 0 : i32
      %dma_wait3A_132 = tpu.memref_slice %arg2[%add3A_130, %dma_wait3A_131] : memref<32768x128xi32, #tpu.memory_space<hbm>> -> memref<128x128xi32, #tpu.memory_space<hbm>>
      %dma_wait3A_133 = arith.constant 0 : i32
      %dma_wait3A_134 = tpu.memref_slice %arg2[%add3A_130, %dma_wait3A_133] : memref<32768x128xi32, #tpu.memory_space<hbm>> -> memref<128x128xi32, #tpu.memory_space<hbm>>
      tpu.wait_dma2 semaphore(%arg13 : memref<!tpu.dma_semaphore, #tpu.memory_space<semaphore_mem>>) src(%dma_wait3A_134 : memref<128x128xi32, #tpu.memory_space<hbm>>) dst(%arg4 : memref<128x128xi32, #tpu.memory_space<vmem>>)
      %mul3A_135 = arith.constant 4096 : i32
      %mul3A_136 = arith.muli %add3A_128, %mul3A_135 : i32
      %parallel_loop3A = arith.constant 0 : i32
      %parallel_loop3A_137 = arith.constant 128 : i32
      %parallel_loop3A_138 = arith.constant 1 : i32
      scf.for %parallel_loop3A_162 = %parallel_loop3A to %parallel_loop3A_137 step %parallel_loop3A_138  : i32 {
        %parallel_loop3A_163 = arith.index_cast %parallel_loop3A_162 : i32 to index
        %parallel_loop3A_164 = arith.constant 0 : index
        %parallel_loop3A_165 = tpu.vector_load %arg4[%parallel_loop3A_163, %parallel_loop3A_164] {strides = array<i32>} : memref<128x128xi32, #tpu.memory_space<vmem>>, vector<16xi32>,
        %parallel_loop3A_166 = arith.constant 16 : i32
        %parallel_loop3A_167 = vector.broadcast %parallel_loop3A_166 : i32 to vector<16xi32>
        %parallel_loop3A_168 = arith.muli %parallel_loop3A_165, %parallel_loop3A_167 : vector<16xi32>
        %parallel_loop3A_169 = arith.addi %parallel_loop3A_168, %iota3A : vector<16xi32>
        tpu.vector_store_idx %arg9[%parallel_loop3A_169], %broadcast_in_dim3A_38 {add = true} : memref<512xf32, #tpu.memory_space<vmem>>[vector<16xi32>], vector<16xf32>,
        %parallel_loop3A_170 = arith.index_cast %parallel_loop3A_162 : i32 to index
        %parallel_loop3A_171 = arith.constant 16 : index
        %parallel_loop3A_172 = tpu.vector_load %arg4[%parallel_loop3A_170, %parallel_loop3A_171] {strides = array<i32>} : memref<128x128xi32, #tpu.memory_space<vmem>>, vector<16xi32>,
        %parallel_loop3A_173 = arith.constant 16 : i32
        %parallel_loop3A_174 = vector.broadcast %parallel_loop3A_173 : i32 to vector<16xi32>
        %parallel_loop3A_175 = arith.muli %parallel_loop3A_172, %parallel_loop3A_174 : vector<16xi32>
        %parallel_loop3A_176 = arith.addi %parallel_loop3A_175, %iota3A : vector<16xi32>
        tpu.vector_store_idx %arg9[%parallel_loop3A_176], %broadcast_in_dim3A_38 {add = true} : memref<512xf32, #tpu.memory_space<vmem>>[vector<16xi32>], vector<16xf32>,
        %parallel_loop3A_177 = arith.index_cast %parallel_loop3A_162 : i32 to index
        %parallel_loop3A_178 = arith.constant 32 : index
        %parallel_loop3A_179 = tpu.vector_load %arg4[%parallel_loop3A_177, %parallel_loop3A_178] {strides = array<i32>} : memref<128x128xi32, #tpu.memory_space<vmem>>, vector<16xi32>,
        %parallel_loop3A_180 = arith.constant 16 : i32
        %parallel_loop3A_181 = vector.broadcast %parallel_loop3A_180 : i32 to vector<16xi32>
        %parallel_loop3A_182 = arith.muli %parallel_loop3A_179, %parallel_loop3A_181 : vector<16xi32>
        %parallel_loop3A_183 = arith.addi %parallel_loop3A_182, %iota3A : vector<16xi32>
        tpu.vector_store_idx %arg9[%parallel_loop3A_183], %broadcast_in_dim3A_38 {add = true} : memref<512xf32, #tpu.memory_space<vmem>>[vector<16xi32>], vector<16xf32>,
        %parallel_loop3A_184 = arith.index_cast %parallel_loop3A_162 : i32 to index
        %parallel_loop3A_185 = arith.constant 48 : index
        %parallel_loop3A_186 = tpu.vector_load %arg4[%parallel_loop3A_184, %parallel_loop3A_185] {strides = array<i32>} : memref<128x128xi32, #tpu.memory_space<vmem>>, vector<16xi32>,
        %parallel_loop3A_187 = arith.constant 16 : i32
        %parallel_loop3A_188 = vector.broadcast %parallel_loop3A_187 : i32 to vector<16xi32>
        %parallel_loop3A_189 = arith.muli %parallel_loop3A_186, %parallel_loop3A_188 : vector<16xi32>
        %parallel_loop3A_190 = arith.addi %parallel_loop3A_189, %iota3A : vector<16xi32>
        tpu.vector_store_idx %arg9[%parallel_loop3A_190], %broadcast_in_dim3A_38 {add = true} : memref<512xf32, #tpu.memory_space<vmem>>[vector<16xi32>], vector<16xf32>,
        %parallel_loop3A_191 = arith.constant 8 : i32
        %parallel_loop3A_192 = vector.broadcast %parallel_loop3A_191 : i32 to vector<16xi32>
        %parallel_loop3A_193 = arith.shli %parallel_loop3A_172, %parallel_loop3A_192 : vector<16xi32>
        %parallel_loop3A_194 = arith.ori %parallel_loop3A_165, %parallel_loop3A_193 : vector<16xi32>
        %parallel_loop3A_195 = arith.constant 16 : i32
        %parallel_loop3A_196 = vector.broadcast %parallel_loop3A_195 : i32 to vector<16xi32>
        %parallel_loop3A_197 = arith.shli %parallel_loop3A_179, %parallel_loop3A_196 : vector<16xi32>
        %parallel_loop3A_198 = arith.constant 24 : i32
        %parallel_loop3A_199 = vector.broadcast %parallel_loop3A_198 : i32 to vector<16xi32>
        %parallel_loop3A_200 = arith.shli %parallel_loop3A_186, %parallel_loop3A_199 : vector<16xi32>
        %parallel_loop3A_201 = arith.ori %parallel_loop3A_197, %parallel_loop3A_200 : vector<16xi32>
        %parallel_loop3A_202 = arith.ori %parallel_loop3A_194, %parallel_loop3A_201 : vector<16xi32>
        %parallel_loop3A_203 = arith.constant 32 : i32
        %parallel_loop3A_204 = arith.muli %parallel_loop3A_162, %parallel_loop3A_203 : i32
        %parallel_loop3A_205 = arith.addi %mul3A_136, %parallel_loop3A_204 : i32
        %parallel_loop3A_206 = arith.constant 0 : i32
        %parallel_loop3A_207 = arith.addi %parallel_loop3A_205, %parallel_loop3A_206 : i32
        %parallel_loop3A_208 = arith.index_cast %parallel_loop3A_207 : i32 to index
        %parallel_loop3A_209 = tpu.vector_load %arg8[%parallel_loop3A_208] {strides = array<i32>} : memref<32768xi32, #tpu.memory_space<vmem>>, vector<16xi32>,
        tpu.vector_store %arg8[%parallel_loop3A_208], %parallel_loop3A_202 {strides = array<i32>} : memref<32768xi32, #tpu.memory_space<vmem>>, vector<16xi32>,
        %parallel_loop3A_210 = arith.index_cast %parallel_loop3A_162 : i32 to index
        %parallel_loop3A_211 = arith.constant 64 : index
        %parallel_loop3A_212 = tpu.vector_load %arg4[%parallel_loop3A_210, %parallel_loop3A_211] {strides = array<i32>} : memref<128x128xi32, #tpu.memory_space<vmem>>, vector<16xi32>,
        %parallel_loop3A_213 = arith.constant 16 : i32
        %parallel_loop3A_214 = vector.broadcast %parallel_loop3A_213 : i32 to vector<16xi32>
        %parallel_loop3A_215 = arith.muli %parallel_loop3A_212, %parallel_loop3A_214 : vector<16xi32>
        %parallel_loop3A_216 = arith.addi %parallel_loop3A_215, %iota3A : vector<16xi32>
        tpu.vector_store_idx %arg9[%parallel_loop3A_216], %broadcast_in_dim3A_38 {add = true} : memref<512xf32, #tpu.memory_space<vmem>>[vector<16xi32>], vector<16xf32>,
        %parallel_loop3A_217 = arith.index_cast %parallel_loop3A_162 : i32 to index
        %parallel_loop3A_218 = arith.constant 80 : index
        %parallel_loop3A_219 = tpu.vector_load %arg4[%parallel_loop3A_217, %parallel_loop3A_218] {strides = array<i32>} : memref<128x128xi32, #tpu.memory_space<vmem>>, vector<16xi32>,
        %parallel_loop3A_220 = arith.constant 16 : i32
        %parallel_loop3A_221 = vector.broadcast %parallel_loop3A_220 : i32 to vector<16xi32>
        %parallel_loop3A_222 = arith.muli %parallel_loop3A_219, %parallel_loop3A_221 : vector<16xi32>
        %parallel_loop3A_223 = arith.addi %parallel_loop3A_222, %iota3A : vector<16xi32>
        tpu.vector_store_idx %arg9[%parallel_loop3A_223], %broadcast_in_dim3A_38 {add = true} : memref<512xf32, #tpu.memory_space<vmem>>[vector<16xi32>], vector<16xf32>,
        %parallel_loop3A_224 = arith.index_cast %parallel_loop3A_162 : i32 to index
        %parallel_loop3A_225 = arith.constant 96 : index
        %parallel_loop3A_226 = tpu.vector_load %arg4[%parallel_loop3A_224, %parallel_loop3A_225] {strides = array<i32>} : memref<128x128xi32, #tpu.memory_space<vmem>>, vector<16xi32>,
        %parallel_loop3A_227 = arith.constant 16 : i32
        %parallel_loop3A_228 = vector.broadcast %parallel_loop3A_227 : i32 to vector<16xi32>
        %parallel_loop3A_229 = arith.muli %parallel_loop3A_226, %parallel_loop3A_228 : vector<16xi32>
        %parallel_loop3A_230 = arith.addi %parallel_loop3A_229, %iota3A : vector<16xi32>
        tpu.vector_store_idx %arg9[%parallel_loop3A_230], %broadcast_in_dim3A_38 {add = true} : memref<512xf32, #tpu.memory_space<vmem>>[vector<16xi32>], vector<16xf32>,
        %parallel_loop3A_231 = arith.index_cast %parallel_loop3A_162 : i32 to index
        %parallel_loop3A_232 = arith.constant 112 : index
        %parallel_loop3A_233 = tpu.vector_load %arg4[%parallel_loop3A_231, %parallel_loop3A_232] {strides = array<i32>} : memref<128x128xi32, #tpu.memory_space<vmem>>, vector<16xi32>,
        %parallel_loop3A_234 = arith.constant 16 : i32
        %parallel_loop3A_235 = vector.broadcast %parallel_loop3A_234 : i32 to vector<16xi32>
        %parallel_loop3A_236 = arith.muli %parallel_loop3A_233, %parallel_loop3A_235 : vector<16xi32>
        %parallel_loop3A_237 = arith.addi %parallel_loop3A_236, %iota3A : vector<16xi32>
        tpu.vector_store_idx %arg9[%parallel_loop3A_237], %broadcast_in_dim3A_38 {add = true} : memref<512xf32, #tpu.memory_space<vmem>>[vector<16xi32>], vector<16xf32>,
        %parallel_loop3A_238 = arith.constant 8 : i32
        %parallel_loop3A_239 = vector.broadcast %parallel_loop3A_238 : i32 to vector<16xi32>
        %parallel_loop3A_240 = arith.shli %parallel_loop3A_219, %parallel_loop3A_239 : vector<16xi32>
        %parallel_loop3A_241 = arith.ori %parallel_loop3A_212, %parallel_loop3A_240 : vector<16xi32>
        %parallel_loop3A_242 = arith.constant 16 : i32
        %parallel_loop3A_243 = vector.broadcast %parallel_loop3A_242 : i32 to vector<16xi32>
        %parallel_loop3A_244 = arith.shli %parallel_loop3A_226, %parallel_loop3A_243 : vector<16xi32>
        %parallel_loop3A_245 = arith.constant 24 : i32
        %parallel_loop3A_246 = vector.broadcast %parallel_loop3A_245 : i32 to vector<16xi32>
        %parallel_loop3A_247 = arith.shli %parallel_loop3A_233, %parallel_loop3A_246 : vector<16xi32>
        %parallel_loop3A_248 = arith.ori %parallel_loop3A_244, %parallel_loop3A_247 : vector<16xi32>
        %parallel_loop3A_249 = arith.ori %parallel_loop3A_241, %parallel_loop3A_248 : vector<16xi32>
        %parallel_loop3A_250 = arith.constant 32 : i32
        %parallel_loop3A_251 = arith.muli %parallel_loop3A_162, %parallel_loop3A_250 : i32
        %parallel_loop3A_252 = arith.addi %mul3A_136, %parallel_loop3A_251 : i32
        %parallel_loop3A_253 = arith.constant 16 : i32
        %parallel_loop3A_254 = arith.addi %parallel_loop3A_252, %parallel_loop3A_253 : i32
        %parallel_loop3A_255 = arith.index_cast %parallel_loop3A_254 : i32 to index
        %parallel_loop3A_256 = tpu.vector_load %arg8[%parallel_loop3A_255] {strides = array<i32>} : memref<32768xi32, #tpu.memory_space<vmem>>, vector<16xi32>,
        tpu.vector_store %arg8[%parallel_loop3A_255], %parallel_loop3A_249 {strides = array<i32>} : memref<32768xi32, #tpu.memory_space<vmem>>, vector<16xi32>,
      } {sc.loop_unroll_factor = 1 : i64, sc.parallel_access}
      %lt3A_139 = arith.constant 3 : i32
      %lt3A_140 = arith.cmpi slt, %scan3A_124, %lt3A_139 : i32
      %convert_element_type3A = arith.extui %lt3A_140 : i1 to i32
      %cond3A = arith.constant 0 : i32
      %cond3A_141 = arith.cmpi ne, %convert_element_type3A, %cond3A : i32
      scf.if %cond3A_141 {
        %add3A_162 = arith.constant 2 : i32
        %add3A_163 = arith.addi %add3A_128, %add3A_162 : i32
        %mul3A_164 = arith.constant 128 : i32
        %mul3A_165 = arith.muli %add3A_163, %mul3A_164 : i32
        %add3A_166 = arith.addi %add3A_35, %mul3A_165 : i32
        %dma_start3A_167 = arith.constant 0 : i32
        %dma_start3A_168 = tpu.memref_slice %arg2[%add3A_166, %dma_start3A_167] : memref<32768x128xi32, #tpu.memory_space<hbm>> -> memref<128x128xi32, #tpu.memory_space<hbm>>
        %dma_start3A_169 = arith.constant 0 : i32
        %dma_start3A_170 = tpu.memref_slice %arg2[%add3A_166, %dma_start3A_169] : memref<32768x128xi32, #tpu.memory_space<hbm>> -> memref<128x128xi32, #tpu.memory_space<hbm>>
        tpu.enqueue_dma source(%dma_start3A_170 : memref<128x128xi32, #tpu.memory_space<hbm>>) target(%arg4 : memref<128x128xi32, #tpu.memory_space<vmem>>) target_semaphore(%arg13 : memref<!tpu.dma_semaphore, #tpu.memory_space<semaphore_mem>>)
      } else {
      }
      %mul3A_142 = arith.constant 2 : i32
      %mul3A_143 = arith.muli %scan3A_124, %mul3A_142 : i32
      %add3A_144 = arith.constant 1 : i32
      %add3A_145 = arith.addi %mul3A_143, %add3A_144 : i32
      %add3A_146 = arith.constant 0 : i32
      %add3A_147 = arith.addi %add3A_35, %add3A_146 : i32
      %dma_wait3A_148 = arith.constant 0 : i32
      %dma_wait3A_149 = tpu.memref_slice %arg2[%add3A_147, %dma_wait3A_148] : memref<32768x128xi32, #tpu.memory_space<hbm>> -> memref<128x128xi32, #tpu.memory_space<hbm>>
      %dma_wait3A_150 = arith.constant 0 : i32
      %dma_wait3A_151 = tpu.memref_slice %arg2[%add3A_147, %dma_wait3A_150] : memref<32768x128xi32, #tpu.memory_space<hbm>> -> memref<128x128xi32, #tpu.memory_space<hbm>>
      tpu.wait_dma2 semaphore(%arg14 : memref<!tpu.dma_semaphore, #tpu.memory_space<semaphore_mem>>) src(%dma_wait3A_151 : memref<128x128xi32, #tpu.memory_space<hbm>>) dst(%arg5 : memref<128x128xi32, #tpu.memory_space<vmem>>)
      %mul3A_152 = arith.constant 4096 : i32
      %mul3A_153 = arith.muli %add3A_145, %mul3A_152 : i32
      %parallel_loop3A_154 = arith.constant 0 : i32
      %parallel_loop3A_155 = arith.constant 128 : i32
      %parallel_loop3A_156 = arith.constant 1 : i32
      scf.for %parallel_loop3A_162 = %parallel_loop3A_154 to %parallel_loop3A_155 step %parallel_loop3A_156  : i32 {
        %parallel_loop3A_163 = arith.index_cast %parallel_loop3A_162 : i32 to index
        %parallel_loop3A_164 = arith.constant 0 : index
        %parallel_loop3A_165 = tpu.vector_load %arg5[%parallel_loop3A_163, %parallel_loop3A_164] {strides = array<i32>} : memref<128x128xi32, #tpu.memory_space<vmem>>, vector<16xi32>,
        %parallel_loop3A_166 = arith.constant 16 : i32
        %parallel_loop3A_167 = vector.broadcast %parallel_loop3A_166 : i32 to vector<16xi32>
        %parallel_loop3A_168 = arith.muli %parallel_loop3A_165, %parallel_loop3A_167 : vector<16xi32>
        %parallel_loop3A_169 = arith.addi %parallel_loop3A_168, %iota3A : vector<16xi32>
        tpu.vector_store_idx %arg9[%parallel_loop3A_169], %broadcast_in_dim3A_38 {add = true} : memref<512xf32, #tpu.memory_space<vmem>>[vector<16xi32>], vector<16xf32>,
        %parallel_loop3A_170 = arith.index_cast %parallel_loop3A_162 : i32 to index
        %parallel_loop3A_171 = arith.constant 16 : index
        %parallel_loop3A_172 = tpu.vector_load %arg5[%parallel_loop3A_170, %parallel_loop3A_171] {strides = array<i32>} : memref<128x128xi32, #tpu.memory_space<vmem>>, vector<16xi32>,
        %parallel_loop3A_173 = arith.constant 16 : i32
        %parallel_loop3A_174 = vector.broadcast %parallel_loop3A_173 : i32 to vector<16xi32>
        %parallel_loop3A_175 = arith.muli %parallel_loop3A_172, %parallel_loop3A_174 : vector<16xi32>
        %parallel_loop3A_176 = arith.addi %parallel_loop3A_175, %iota3A : vector<16xi32>
        tpu.vector_store_idx %arg9[%parallel_loop3A_176], %broadcast_in_dim3A_38 {add = true} : memref<512xf32, #tpu.memory_space<vmem>>[vector<16xi32>], vector<16xf32>,
        %parallel_loop3A_177 = arith.index_cast %parallel_loop3A_162 : i32 to index
        %parallel_loop3A_178 = arith.constant 32 : index
        %parallel_loop3A_179 = tpu.vector_load %arg5[%parallel_loop3A_177, %parallel_loop3A_178] {strides = array<i32>} : memref<128x128xi32, #tpu.memory_space<vmem>>, vector<16xi32>,
        %parallel_loop3A_180 = arith.constant 16 : i32
        %parallel_loop3A_181 = vector.broadcast %parallel_loop3A_180 : i32 to vector<16xi32>
        %parallel_loop3A_182 = arith.muli %parallel_loop3A_179, %parallel_loop3A_181 : vector<16xi32>
        %parallel_loop3A_183 = arith.addi %parallel_loop3A_182, %iota3A : vector<16xi32>
        tpu.vector_store_idx %arg9[%parallel_loop3A_183], %broadcast_in_dim3A_38 {add = true} : memref<512xf32, #tpu.memory_space<vmem>>[vector<16xi32>], vector<16xf32>,
        %parallel_loop3A_184 = arith.index_cast %parallel_loop3A_162 : i32 to index
        %parallel_loop3A_185 = arith.constant 48 : index
        %parallel_loop3A_186 = tpu.vector_load %arg5[%parallel_loop3A_184, %parallel_loop3A_185] {strides = array<i32>} : memref<128x128xi32, #tpu.memory_space<vmem>>, vector<16xi32>,
        %parallel_loop3A_187 = arith.constant 16 : i32
        %parallel_loop3A_188 = vector.broadcast %parallel_loop3A_187 : i32 to vector<16xi32>
        %parallel_loop3A_189 = arith.muli %parallel_loop3A_186, %parallel_loop3A_188 : vector<16xi32>
        %parallel_loop3A_190 = arith.addi %parallel_loop3A_189, %iota3A : vector<16xi32>
        tpu.vector_store_idx %arg9[%parallel_loop3A_190], %broadcast_in_dim3A_38 {add = true} : memref<512xf32, #tpu.memory_space<vmem>>[vector<16xi32>], vector<16xf32>,
        %parallel_loop3A_191 = arith.constant 8 : i32
        %parallel_loop3A_192 = vector.broadcast %parallel_loop3A_191 : i32 to vector<16xi32>
        %parallel_loop3A_193 = arith.shli %parallel_loop3A_172, %parallel_loop3A_192 : vector<16xi32>
        %parallel_loop3A_194 = arith.ori %parallel_loop3A_165, %parallel_loop3A_193 : vector<16xi32>
        %parallel_loop3A_195 = arith.constant 16 : i32
        %parallel_loop3A_196 = vector.broadcast %parallel_loop3A_195 : i32 to vector<16xi32>
        %parallel_loop3A_197 = arith.shli %parallel_loop3A_179, %parallel_loop3A_196 : vector<16xi32>
        %parallel_loop3A_198 = arith.constant 24 : i32
        %parallel_loop3A_199 = vector.broadcast %parallel_loop3A_198 : i32 to vector<16xi32>
        %parallel_loop3A_200 = arith.shli %parallel_loop3A_186, %parallel_loop3A_199 : vector<16xi32>
        %parallel_loop3A_201 = arith.ori %parallel_loop3A_197, %parallel_loop3A_200 : vector<16xi32>
        %parallel_loop3A_202 = arith.ori %parallel_loop3A_194, %parallel_loop3A_201 : vector<16xi32>
        %parallel_loop3A_203 = arith.constant 32 : i32
        %parallel_loop3A_204 = arith.muli %parallel_loop3A_162, %parallel_loop3A_203 : i32
        %parallel_loop3A_205 = arith.addi %mul3A_153, %parallel_loop3A_204 : i32
        %parallel_loop3A_206 = arith.constant 0 : i32
        %parallel_loop3A_207 = arith.addi %parallel_loop3A_205, %parallel_loop3A_206 : i32
        %parallel_loop3A_208 = arith.index_cast %parallel_loop3A_207 : i32 to index
        %parallel_loop3A_209 = tpu.vector_load %arg8[%parallel_loop3A_208] {strides = array<i32>} : memref<32768xi32, #tpu.memory_space<vmem>>, vector<16xi32>,
        tpu.vector_store %arg8[%parallel_loop3A_208], %parallel_loop3A_202 {strides = array<i32>} : memref<32768xi32, #tpu.memory_space<vmem>>, vector<16xi32>,
        %parallel_loop3A_210 = arith.index_cast %parallel_loop3A_162 : i32 to index
        %parallel_loop3A_211 = arith.constant 64 : index
        %parallel_loop3A_212 = tpu.vector_load %arg5[%parallel_loop3A_210, %parallel_loop3A_211] {strides = array<i32>} : memref<128x128xi32, #tpu.memory_space<vmem>>, vector<16xi32>,
        %parallel_loop3A_213 = arith.constant 16 : i32
        %parallel_loop3A_214 = vector.broadcast %parallel_loop3A_213 : i32 to vector<16xi32>
        %parallel_loop3A_215 = arith.muli %parallel_loop3A_212, %parallel_loop3A_214 : vector<16xi32>
        %parallel_loop3A_216 = arith.addi %parallel_loop3A_215, %iota3A : vector<16xi32>
        tpu.vector_store_idx %arg9[%parallel_loop3A_216], %broadcast_in_dim3A_38 {add = true} : memref<512xf32, #tpu.memory_space<vmem>>[vector<16xi32>], vector<16xf32>,
        %parallel_loop3A_217 = arith.index_cast %parallel_loop3A_162 : i32 to index
        %parallel_loop3A_218 = arith.constant 80 : index
        %parallel_loop3A_219 = tpu.vector_load %arg5[%parallel_loop3A_217, %parallel_loop3A_218] {strides = array<i32>} : memref<128x128xi32, #tpu.memory_space<vmem>>, vector<16xi32>,
        %parallel_loop3A_220 = arith.constant 16 : i32
        %parallel_loop3A_221 = vector.broadcast %parallel_loop3A_220 : i32 to vector<16xi32>
        %parallel_loop3A_222 = arith.muli %parallel_loop3A_219, %parallel_loop3A_221 : vector<16xi32>
        %parallel_loop3A_223 = arith.addi %parallel_loop3A_222, %iota3A : vector<16xi32>
        tpu.vector_store_idx %arg9[%parallel_loop3A_223], %broadcast_in_dim3A_38 {add = true} : memref<512xf32, #tpu.memory_space<vmem>>[vector<16xi32>], vector<16xf32>,
        %parallel_loop3A_224 = arith.index_cast %parallel_loop3A_162 : i32 to index
        %parallel_loop3A_225 = arith.constant 96 : index
        %parallel_loop3A_226 = tpu.vector_load %arg5[%parallel_loop3A_224, %parallel_loop3A_225] {strides = array<i32>} : memref<128x128xi32, #tpu.memory_space<vmem>>, vector<16xi32>,
        %parallel_loop3A_227 = arith.constant 16 : i32
        %parallel_loop3A_228 = vector.broadcast %parallel_loop3A_227 : i32 to vector<16xi32>
        %parallel_loop3A_229 = arith.muli %parallel_loop3A_226, %parallel_loop3A_228 : vector<16xi32>
        %parallel_loop3A_230 = arith.addi %parallel_loop3A_229, %iota3A : vector<16xi32>
        tpu.vector_store_idx %arg9[%parallel_loop3A_230], %broadcast_in_dim3A_38 {add = true} : memref<512xf32, #tpu.memory_space<vmem>>[vector<16xi32>], vector<16xf32>,
        %parallel_loop3A_231 = arith.index_cast %parallel_loop3A_162 : i32 to index
        %parallel_loop3A_232 = arith.constant 112 : index
        %parallel_loop3A_233 = tpu.vector_load %arg5[%parallel_loop3A_231, %parallel_loop3A_232] {strides = array<i32>} : memref<128x128xi32, #tpu.memory_space<vmem>>, vector<16xi32>,
        %parallel_loop3A_234 = arith.constant 16 : i32
        %parallel_loop3A_235 = vector.broadcast %parallel_loop3A_234 : i32 to vector<16xi32>
        %parallel_loop3A_236 = arith.muli %parallel_loop3A_233, %parallel_loop3A_235 : vector<16xi32>
        %parallel_loop3A_237 = arith.addi %parallel_loop3A_236, %iota3A : vector<16xi32>
        tpu.vector_store_idx %arg9[%parallel_loop3A_237], %broadcast_in_dim3A_38 {add = true} : memref<512xf32, #tpu.memory_space<vmem>>[vector<16xi32>], vector<16xf32>,
        %parallel_loop3A_238 = arith.constant 8 : i32
        %parallel_loop3A_239 = vector.broadcast %parallel_loop3A_238 : i32 to vector<16xi32>
        %parallel_loop3A_240 = arith.shli %parallel_loop3A_219, %parallel_loop3A_239 : vector<16xi32>
        %parallel_loop3A_241 = arith.ori %parallel_loop3A_212, %parallel_loop3A_240 : vector<16xi32>
        %parallel_loop3A_242 = arith.constant 16 : i32
        %parallel_loop3A_243 = vector.broadcast %parallel_loop3A_242 : i32 to vector<16xi32>
        %parallel_loop3A_244 = arith.shli %parallel_loop3A_226, %parallel_loop3A_243 : vector<16xi32>
        %parallel_loop3A_245 = arith.constant 24 : i32
        %parallel_loop3A_246 = vector.broadcast %parallel_loop3A_245 : i32 to vector<16xi32>
        %parallel_loop3A_247 = arith.shli %parallel_loop3A_233, %parallel_loop3A_246 : vector<16xi32>
        %parallel_loop3A_248 = arith.ori %parallel_loop3A_244, %parallel_loop3A_247 : vector<16xi32>
        %parallel_loop3A_249 = arith.ori %parallel_loop3A_241, %parallel_loop3A_248 : vector<16xi32>
        %parallel_loop3A_250 = arith.constant 32 : i32
        %parallel_loop3A_251 = arith.muli %parallel_loop3A_162, %parallel_loop3A_250 : i32
        %parallel_loop3A_252 = arith.addi %mul3A_153, %parallel_loop3A_251 : i32
        %parallel_loop3A_253 = arith.constant 16 : i32
        %parallel_loop3A_254 = arith.addi %parallel_loop3A_252, %parallel_loop3A_253 : i32
        %parallel_loop3A_255 = arith.index_cast %parallel_loop3A_254 : i32 to index
        %parallel_loop3A_256 = tpu.vector_load %arg8[%parallel_loop3A_255] {strides = array<i32>} : memref<32768xi32, #tpu.memory_space<vmem>>, vector<16xi32>,
        tpu.vector_store %arg8[%parallel_loop3A_255], %parallel_loop3A_249 {strides = array<i32>} : memref<32768xi32, #tpu.memory_space<vmem>>, vector<16xi32>,
      } {sc.loop_unroll_factor = 1 : i64, sc.parallel_access}
      %lt3A_157 = arith.constant 3 : i32
      %lt3A_158 = arith.cmpi slt, %scan3A_124, %lt3A_157 : i32
      %convert_element_type3A_159 = arith.extui %lt3A_158 : i1 to i32
      %cond3A_160 = arith.constant 0 : i32
      %cond3A_161 = arith.cmpi ne, %convert_element_type3A_159, %cond3A_160 : i32
      scf.if %cond3A_161 {
        %add3A_162 = arith.constant 2 : i32
        %add3A_163 = arith.addi %add3A_145, %add3A_162 : i32
        %mul3A_164 = arith.constant 128 : i32
        %mul3A_165 = arith.muli %add3A_163, %mul3A_164 : i32
        %add3A_166 = arith.addi %add3A_35, %mul3A_165 : i32
        %dma_start3A_167 = arith.constant 0 : i32
        %dma_start3A_168 = tpu.memref_slice %arg2[%add3A_166, %dma_start3A_167] : memref<32768x128xi32, #tpu.memory_space<hbm>> -> memref<128x128xi32, #tpu.memory_space<hbm>>
        %dma_start3A_169 = arith.constant 0 : i32
        %dma_start3A_170 = tpu.memref_slice %arg2[%add3A_166, %dma_start3A_169] : memref<32768x128xi32, #tpu.memory_space<hbm>> -> memref<128x128xi32, #tpu.memory_space<hbm>>
        tpu.enqueue_dma source(%dma_start3A_170 : memref<128x128xi32, #tpu.memory_space<hbm>>) target(%arg5 : memref<128x128xi32, #tpu.memory_space<vmem>>) target_semaphore(%arg14 : memref<!tpu.dma_semaphore, #tpu.memory_space<semaphore_mem>>)
      } else {
      }
    }
    %scan3A_60 = arith.constant 4 : i32
    %mul3A_61 = arith.constant 512 : i32
    %mul3A_62 = arith.muli %arg1, %mul3A_61 : i32
    "tpu.region"() ({
      %run_scoped3A = tpu.sem_alloc : memref<!tpu.dma_semaphore, #tpu.memory_space<semaphore_mem>>
      %dma_start3A_124 = tpu.memref_slice %arg12[%mul3A_62] : memref<8192xf32, #tpu.memory_space<vmem_shared>> -> memref<512xf32, #tpu.memory_space<vmem_shared>>
      %dma_start3A_125 = tpu.memref_slice %arg12[%mul3A_62] : memref<8192xf32, #tpu.memory_space<vmem_shared>> -> memref<512xf32, #tpu.memory_space<vmem_shared>>
      tpu.enqueue_dma source(%arg9 : memref<512xf32, #tpu.memory_space<vmem>>) target(%dma_start3A_125 : memref<512xf32, #tpu.memory_space<vmem_shared>>) target_semaphore(%run_scoped3A : memref<!tpu.dma_semaphore, #tpu.memory_space<semaphore_mem>>)
      %dma_wait3A_126 = tpu.memref_slice %arg12[%mul3A_62] : memref<8192xf32, #tpu.memory_space<vmem_shared>> -> memref<512xf32, #tpu.memory_space<vmem_shared>>
      %dma_wait3A_127 = tpu.memref_slice %arg12[%mul3A_62] : memref<8192xf32, #tpu.memory_space<vmem_shared>> -> memref<512xf32, #tpu.memory_space<vmem_shared>>
      tpu.wait_dma2 semaphore(%run_scoped3A : memref<!tpu.dma_semaphore, #tpu.memory_space<semaphore_mem>>) src(%arg9 : memref<512xf32, #tpu.memory_space<vmem>>) dst(%dma_wait3A_127 : memref<512xf32, #tpu.memory_space<vmem_shared>>)
      tpu.yield
    }) : () -> ()
    %barrier3A = arith.constant 0 : index
    tpu.barrier barrier_id(%barrier3A)
    %xor3A = arith.constant 1 : i32
    %xor3A_63 = arith.xori %arg1, %xor3A : i32
    %mul3A_64 = arith.constant 512 : i32
    %mul3A_65 = arith.muli %xor3A_63, %mul3A_64 : i32
    "tpu.region"() ({
      %run_scoped3A = tpu.sem_alloc : memref<!tpu.dma_semaphore, #tpu.memory_space<semaphore_mem>>
      %dma_start3A_124 = tpu.memref_slice %arg12[%mul3A_65] : memref<8192xf32, #tpu.memory_space<vmem_shared>> -> memref<512xf32, #tpu.memory_space<vmem_shared>>
      %dma_start3A_125 = tpu.memref_slice %arg12[%mul3A_65] : memref<8192xf32, #tpu.memory_space<vmem_shared>> -> memref<512xf32, #tpu.memory_space<vmem_shared>>
      tpu.enqueue_dma source(%dma_start3A_125 : memref<512xf32, #tpu.memory_space<vmem_shared>>) target(%arg10 : memref<512xf32, #tpu.memory_space<vmem>>) target_semaphore(%run_scoped3A : memref<!tpu.dma_semaphore, #tpu.memory_space<semaphore_mem>>)
      %dma_wait3A_126 = tpu.memref_slice %arg12[%mul3A_65] : memref<8192xf32, #tpu.memory_space<vmem_shared>> -> memref<512xf32, #tpu.memory_space<vmem_shared>>
      %dma_wait3A_127 = tpu.memref_slice %arg12[%mul3A_65] : memref<8192xf32, #tpu.memory_space<vmem_shared>> -> memref<512xf32, #tpu.memory_space<vmem_shared>>
      tpu.wait_dma2 semaphore(%run_scoped3A : memref<!tpu.dma_semaphore, #tpu.memory_space<semaphore_mem>>) src(%dma_wait3A_127 : memref<512xf32, #tpu.memory_space<vmem_shared>>) dst(%arg10 : memref<512xf32, #tpu.memory_space<vmem>>)
      tpu.yield
    }) : () -> ()
    %mul3A_66 = arith.constant 16 : i32
    %mul3A_67 = vector.broadcast %mul3A_66 : i32 to vector<16xi32>
    %mul3A_68 = arith.muli %iota3A, %mul3A_67 : vector<16xi32>
    %add3A_69 = arith.constant 16 : i32
    %add3A_70 = vector.broadcast %add3A_69 : i32 to vector<16xi32>
    %add3A_71 = arith.addi %iota3A, %add3A_70 : vector<16xi32>
    %mul3A_72 = arith.constant 16 : i32
    %mul3A_73 = vector.broadcast %mul3A_72 : i32 to vector<16xi32>
    %mul3A_74 = arith.muli %add3A_71, %mul3A_73 : vector<16xi32>
    %scan3A_75 = arith.constant 0 : i32
    %scan3A_76 = arith.constant 16 : i32
    %scan3A_77 = arith.addi %scan3A_75, %scan3A_76 : i32
    %scan3A_78 = arith.constant 1 : i32
    %scan3A_79:2 = scf.for %scan3A_124 = %scan3A_75 to %scan3A_77 step %scan3A_78 iter_args(%scan3A_125 = %broadcast_in_dim3A_36, %scan3A_126 = %broadcast_in_dim3A_36) -> (vector<16xf32>, vector<16xf32>)  : i32 {
      %add3A_127 = vector.broadcast %scan3A_124 : i32 to vector<16xi32>
      %add3A_128 = arith.addi %mul3A_68, %add3A_127 : vector<16xi32>
      %gather3A = tpu.vector_load_idx %arg9[%add3A_128] : memref<512xf32, #tpu.memory_space<vmem>>[vector<16xi32>], vector<16xf32>,
      %add3A_129 = arith.addf %scan3A_125, %gather3A : vector<16xf32>
      %add3A_130 = vector.broadcast %scan3A_124 : i32 to vector<16xi32>
      %add3A_131 = arith.addi %mul3A_68, %add3A_130 : vector<16xi32>
      %gather3A_132 = tpu.vector_load_idx %arg10[%add3A_131] : memref<512xf32, #tpu.memory_space<vmem>>[vector<16xi32>], vector<16xf32>,
      %add3A_133 = arith.addf %add3A_129, %gather3A_132 : vector<16xf32>
      %add3A_134 = vector.broadcast %scan3A_124 : i32 to vector<16xi32>
      %add3A_135 = arith.addi %mul3A_74, %add3A_134 : vector<16xi32>
      %gather3A_136 = tpu.vector_load_idx %arg9[%add3A_135] : memref<512xf32, #tpu.memory_space<vmem>>[vector<16xi32>], vector<16xf32>,
      %add3A_137 = arith.addf %scan3A_126, %gather3A_136 : vector<16xf32>
      %add3A_138 = vector.broadcast %scan3A_124 : i32 to vector<16xi32>
      %add3A_139 = arith.addi %mul3A_74, %add3A_138 : vector<16xi32>
      %gather3A_140 = tpu.vector_load_idx %arg10[%add3A_139] : memref<512xf32, #tpu.memory_space<vmem>>[vector<16xi32>], vector<16xf32>,
      %add3A_141 = arith.addf %add3A_137, %gather3A_140 : vector<16xf32>
      scf.yield %add3A_133, %add3A_141 : vector<16xf32>, vector<16xf32>
    }
    %scan3A_80 = arith.constant 16 : i32
    %gt3A = arith.constant 0.000000e+00 : f32
    %gt3A_81 = vector.broadcast %gt3A : f32 to vector<16xf32>
    %gt3A_82 = arith.cmpf ogt, %scan3A_79#0, %gt3A_81 : vector<16xf32>
    %max3A = arith.constant 1.000000e+00 : f32
    %max3A_83 = vector.broadcast %max3A : f32 to vector<16xf32>
    %max3A_84 = arith.maximumf %scan3A_79#0, %max3A_83 : vector<16xf32>
    %div3A_85 = arith.divf %broadcast_in_dim3A_38, %max3A_84 : vector<16xf32>
    %select_n3A_86 = arith.select %gt3A_82, %div3A_85, %broadcast_in_dim3A_36 : vector<16xi1>, vector<16xf32>
    %gt3A_87 = arith.constant 0.000000e+00 : f32
    %gt3A_88 = vector.broadcast %gt3A_87 : f32 to vector<16xf32>
    %gt3A_89 = arith.cmpf ogt, %scan3A_79#1, %gt3A_88 : vector<16xf32>
    %max3A_90 = arith.constant 1.000000e+00 : f32
    %max3A_91 = vector.broadcast %max3A_90 : f32 to vector<16xf32>
    %max3A_92 = arith.maximumf %scan3A_79#1, %max3A_91 : vector<16xf32>
    %div3A_93 = arith.divf %broadcast_in_dim3A_38, %max3A_92 : vector<16xf32>
    %select_n3A_94 = arith.select %gt3A_89, %div3A_93, %broadcast_in_dim3A_36 : vector<16xi1>, vector<16xf32>
    %add3A_95 = arith.addf %select_n3A_86, %select_n3A_94 : vector<16xf32>
    %reduce_sum3A = arith.constant true
    %reduce_sum3A_96 = vector.broadcast %reduce_sum3A : i1 to vector<16xi1>
    %reduce_sum3A_97 = tpu.scan <sum>, %add3A_95 masked %reduce_sum3A_96 : vector<16xf32>, vector<16xi1> -> vector<16xf32>
    %reduce_sum3A_98 = vector.extract %reduce_sum3A_97[15] : f32 from vector<16xf32>
    %broadcast_in_dim3A_99 = vector.broadcast %reduce_sum3A_98 : f32 to vector<16xf32>
    %div3A_100 = arith.divf %select_n3A_86, %broadcast_in_dim3A_99 : vector<16xf32>
    %swap3A = arith.constant 0 : index
    %swap3A_101 = tpu.vector_load %arg11[%swap3A] {strides = array<i32>} : memref<32xf32, #tpu.memory_space<vmem>>, vector<16xf32>,
    tpu.vector_store %arg11[%swap3A], %div3A_100 {strides = array<i32>} : memref<32xf32, #tpu.memory_space<vmem>>, vector<16xf32>,
    %div3A_102 = arith.divf %select_n3A_94, %broadcast_in_dim3A_99 : vector<16xf32>
    %swap3A_103 = arith.constant 16 : index
    %swap3A_104 = tpu.vector_load %arg11[%swap3A_103] {strides = array<i32>} : memref<32xf32, #tpu.memory_space<vmem>>, vector<16xf32>,
    tpu.vector_store %arg11[%swap3A_103], %div3A_102 {strides = array<i32>} : memref<32xf32, #tpu.memory_space<vmem>>, vector<16xf32>,
    %broadcast_in_dim3A_105 = arith.constant 255 : i32
    %broadcast_in_dim3A_106 = vector.broadcast %broadcast_in_dim3A_105 : i32 to vector<16xi32>
    %scan3A_107 = arith.constant 0 : i32
    %scan3A_108 = arith.constant 0 : i32
    %scan3A_109 = arith.constant 4 : i32
    %scan3A_110 = arith.addi %scan3A_108, %scan3A_109 : i32
    %scan3A_111 = arith.constant 1 : i32
    scf.for %scan3A_124 = %scan3A_108 to %scan3A_110 step %scan3A_111  : i32 {
      %mul3A_125 = arith.constant 2 : i32
      %mul3A_126 = arith.muli %scan3A_124, %mul3A_125 : i32
      %add3A_127 = arith.constant 0 : i32
      %add3A_128 = arith.addi %mul3A_126, %add3A_127 : i32
      %gt3A_129 = arith.constant 0 : i32
      %gt3A_130 = arith.cmpi sgt, %scan3A_124, %gt3A_129 : i32
      %convert_element_type3A = arith.extui %gt3A_130 : i1 to i32
      %cond3A = arith.constant 0 : i32
      %cond3A_131 = arith.cmpi ne, %convert_element_type3A, %cond3A : i32
      scf.if %cond3A_131 {
        %add3A_164 = arith.constant 0 : i32
        %add3A_165 = arith.addi %add3A_35, %add3A_164 : i32
        %dma_wait3A_166 = arith.constant 0 : i32
        %dma_wait3A_167 = tpu.memref_slice %arg3[%add3A_165, %dma_wait3A_166] : memref<32768x128xf32, #tpu.memory_space<hbm>> -> memref<128x128xf32, #tpu.memory_space<hbm>>
        %dma_wait3A_168 = arith.constant 0 : i32
        %dma_wait3A_169 = tpu.memref_slice %arg3[%add3A_165, %dma_wait3A_168] : memref<32768x128xf32, #tpu.memory_space<hbm>> -> memref<128x128xf32, #tpu.memory_space<hbm>>
        tpu.wait_dma2 semaphore(%arg15 : memref<!tpu.dma_semaphore, #tpu.memory_space<semaphore_mem>>) src(%arg6 : memref<128x128xf32, #tpu.memory_space<vmem>>) dst(%dma_wait3A_169 : memref<128x128xf32, #tpu.memory_space<hbm>>)
      } else {
      }
      %mul3A_132 = arith.constant 4096 : i32
      %mul3A_133 = arith.muli %add3A_128, %mul3A_132 : i32
      %parallel_loop3A = arith.constant 0 : i32
      %parallel_loop3A_134 = arith.constant 128 : i32
      %parallel_loop3A_135 = arith.constant 1 : i32
      scf.for %parallel_loop3A_164 = %parallel_loop3A to %parallel_loop3A_134 step %parallel_loop3A_135  : i32 {
        %parallel_loop3A_165 = arith.constant 32 : i32
        %parallel_loop3A_166 = arith.muli %parallel_loop3A_164, %parallel_loop3A_165 : i32
        %parallel_loop3A_167 = arith.addi %mul3A_133, %parallel_loop3A_166 : i32
        %parallel_loop3A_168 = arith.constant 0 : i32
        %parallel_loop3A_169 = arith.addi %parallel_loop3A_167, %parallel_loop3A_168 : i32
        %parallel_loop3A_170 = arith.index_cast %parallel_loop3A_169 : i32 to index
        %parallel_loop3A_171 = tpu.vector_load %arg8[%parallel_loop3A_170] {strides = array<i32>} : memref<32768xi32, #tpu.memory_space<vmem>>, vector<16xi32>,
        %parallel_loop3A_172 = arith.andi %parallel_loop3A_171, %broadcast_in_dim3A_106 : vector<16xi32>
        %parallel_loop3A_173 = arith.constant 8 : i32
        %parallel_loop3A_174 = vector.broadcast %parallel_loop3A_173 : i32 to vector<16xi32>
        %parallel_loop3A_175 = arith.shrsi %parallel_loop3A_171, %parallel_loop3A_174 : vector<16xi32>
        %parallel_loop3A_176 = arith.andi %parallel_loop3A_175, %broadcast_in_dim3A_106 : vector<16xi32>
        %parallel_loop3A_177 = arith.constant 16 : i32
        %parallel_loop3A_178 = vector.broadcast %parallel_loop3A_177 : i32 to vector<16xi32>
        %parallel_loop3A_179 = arith.shrsi %parallel_loop3A_171, %parallel_loop3A_178 : vector<16xi32>
        %parallel_loop3A_180 = arith.andi %parallel_loop3A_179, %broadcast_in_dim3A_106 : vector<16xi32>
        %parallel_loop3A_181 = arith.constant 24 : i32
        %parallel_loop3A_182 = vector.broadcast %parallel_loop3A_181 : i32 to vector<16xi32>
        %parallel_loop3A_183 = arith.shrsi %parallel_loop3A_171, %parallel_loop3A_182 : vector<16xi32>
        %parallel_loop3A_184 = tpu.vector_load_idx %arg11[%parallel_loop3A_172] : memref<32xf32, #tpu.memory_space<vmem>>[vector<16xi32>], vector<16xf32>,
        %parallel_loop3A_185 = arith.index_cast %parallel_loop3A_164 : i32 to index
        %parallel_loop3A_186 = arith.constant 0 : index
        %parallel_loop3A_187 = tpu.vector_load %arg6[%parallel_loop3A_185, %parallel_loop3A_186] {strides = array<i32>} : memref<128x128xf32, #tpu.memory_space<vmem>>, vector<16xf32>,
        tpu.vector_store %arg6[%parallel_loop3A_185, %parallel_loop3A_186], %parallel_loop3A_184 {strides = array<i32>} : memref<128x128xf32, #tpu.memory_space<vmem>>, vector<16xf32>,
        %parallel_loop3A_188 = tpu.vector_load_idx %arg11[%parallel_loop3A_176] : memref<32xf32, #tpu.memory_space<vmem>>[vector<16xi32>], vector<16xf32>,
        %parallel_loop3A_189 = arith.index_cast %parallel_loop3A_164 : i32 to index
        %parallel_loop3A_190 = arith.constant 16 : index
        %parallel_loop3A_191 = tpu.vector_load %arg6[%parallel_loop3A_189, %parallel_loop3A_190] {strides = array<i32>} : memref<128x128xf32, #tpu.memory_space<vmem>>, vector<16xf32>,
        tpu.vector_store %arg6[%parallel_loop3A_189, %parallel_loop3A_190], %parallel_loop3A_188 {strides = array<i32>} : memref<128x128xf32, #tpu.memory_space<vmem>>, vector<16xf32>,
        %parallel_loop3A_192 = tpu.vector_load_idx %arg11[%parallel_loop3A_180] : memref<32xf32, #tpu.memory_space<vmem>>[vector<16xi32>], vector<16xf32>,
        %parallel_loop3A_193 = arith.index_cast %parallel_loop3A_164 : i32 to index
        %parallel_loop3A_194 = arith.constant 32 : index
        %parallel_loop3A_195 = tpu.vector_load %arg6[%parallel_loop3A_193, %parallel_loop3A_194] {strides = array<i32>} : memref<128x128xf32, #tpu.memory_space<vmem>>, vector<16xf32>,
        tpu.vector_store %arg6[%parallel_loop3A_193, %parallel_loop3A_194], %parallel_loop3A_192 {strides = array<i32>} : memref<128x128xf32, #tpu.memory_space<vmem>>, vector<16xf32>,
        %parallel_loop3A_196 = tpu.vector_load_idx %arg11[%parallel_loop3A_183] : memref<32xf32, #tpu.memory_space<vmem>>[vector<16xi32>], vector<16xf32>,
        %parallel_loop3A_197 = arith.index_cast %parallel_loop3A_164 : i32 to index
        %parallel_loop3A_198 = arith.constant 48 : index
        %parallel_loop3A_199 = tpu.vector_load %arg6[%parallel_loop3A_197, %parallel_loop3A_198] {strides = array<i32>} : memref<128x128xf32, #tpu.memory_space<vmem>>, vector<16xf32>,
        tpu.vector_store %arg6[%parallel_loop3A_197, %parallel_loop3A_198], %parallel_loop3A_196 {strides = array<i32>} : memref<128x128xf32, #tpu.memory_space<vmem>>, vector<16xf32>,
        %parallel_loop3A_200 = arith.constant 32 : i32
        %parallel_loop3A_201 = arith.muli %parallel_loop3A_164, %parallel_loop3A_200 : i32
        %parallel_loop3A_202 = arith.addi %mul3A_133, %parallel_loop3A_201 : i32
        %parallel_loop3A_203 = arith.constant 16 : i32
        %parallel_loop3A_204 = arith.addi %parallel_loop3A_202, %parallel_loop3A_203 : i32
        %parallel_loop3A_205 = arith.index_cast %parallel_loop3A_204 : i32 to index
        %parallel_loop3A_206 = tpu.vector_load %arg8[%parallel_loop3A_205] {strides = array<i32>} : memref<32768xi32, #tpu.memory_space<vmem>>, vector<16xi32>,
        %parallel_loop3A_207 = arith.andi %parallel_loop3A_206, %broadcast_in_dim3A_106 : vector<16xi32>
        %parallel_loop3A_208 = arith.constant 8 : i32
        %parallel_loop3A_209 = vector.broadcast %parallel_loop3A_208 : i32 to vector<16xi32>
        %parallel_loop3A_210 = arith.shrsi %parallel_loop3A_206, %parallel_loop3A_209 : vector<16xi32>
        %parallel_loop3A_211 = arith.andi %parallel_loop3A_210, %broadcast_in_dim3A_106 : vector<16xi32>
        %parallel_loop3A_212 = arith.constant 16 : i32
        %parallel_loop3A_213 = vector.broadcast %parallel_loop3A_212 : i32 to vector<16xi32>
        %parallel_loop3A_214 = arith.shrsi %parallel_loop3A_206, %parallel_loop3A_213 : vector<16xi32>
        %parallel_loop3A_215 = arith.andi %parallel_loop3A_214, %broadcast_in_dim3A_106 : vector<16xi32>
        %parallel_loop3A_216 = arith.constant 24 : i32
        %parallel_loop3A_217 = vector.broadcast %parallel_loop3A_216 : i32 to vector<16xi32>
        %parallel_loop3A_218 = arith.shrsi %parallel_loop3A_206, %parallel_loop3A_217 : vector<16xi32>
        %parallel_loop3A_219 = tpu.vector_load_idx %arg11[%parallel_loop3A_207] : memref<32xf32, #tpu.memory_space<vmem>>[vector<16xi32>], vector<16xf32>,
        %parallel_loop3A_220 = arith.index_cast %parallel_loop3A_164 : i32 to index
        %parallel_loop3A_221 = arith.constant 64 : index
        %parallel_loop3A_222 = tpu.vector_load %arg6[%parallel_loop3A_220, %parallel_loop3A_221] {strides = array<i32>} : memref<128x128xf32, #tpu.memory_space<vmem>>, vector<16xf32>,
        tpu.vector_store %arg6[%parallel_loop3A_220, %parallel_loop3A_221], %parallel_loop3A_219 {strides = array<i32>} : memref<128x128xf32, #tpu.memory_space<vmem>>, vector<16xf32>,
        %parallel_loop3A_223 = tpu.vector_load_idx %arg11[%parallel_loop3A_211] : memref<32xf32, #tpu.memory_space<vmem>>[vector<16xi32>], vector<16xf32>,
        %parallel_loop3A_224 = arith.index_cast %parallel_loop3A_164 : i32 to index
        %parallel_loop3A_225 = arith.constant 80 : index
        %parallel_loop3A_226 = tpu.vector_load %arg6[%parallel_loop3A_224, %parallel_loop3A_225] {strides = array<i32>} : memref<128x128xf32, #tpu.memory_space<vmem>>, vector<16xf32>,
        tpu.vector_store %arg6[%parallel_loop3A_224, %parallel_loop3A_225], %parallel_loop3A_223 {strides = array<i32>} : memref<128x128xf32, #tpu.memory_space<vmem>>, vector<16xf32>,
        %parallel_loop3A_227 = tpu.vector_load_idx %arg11[%parallel_loop3A_215] : memref<32xf32, #tpu.memory_space<vmem>>[vector<16xi32>], vector<16xf32>,
        %parallel_loop3A_228 = arith.index_cast %parallel_loop3A_164 : i32 to index
        %parallel_loop3A_229 = arith.constant 96 : index
        %parallel_loop3A_230 = tpu.vector_load %arg6[%parallel_loop3A_228, %parallel_loop3A_229] {strides = array<i32>} : memref<128x128xf32, #tpu.memory_space<vmem>>, vector<16xf32>,
        tpu.vector_store %arg6[%parallel_loop3A_228, %parallel_loop3A_229], %parallel_loop3A_227 {strides = array<i32>} : memref<128x128xf32, #tpu.memory_space<vmem>>, vector<16xf32>,
        %parallel_loop3A_231 = tpu.vector_load_idx %arg11[%parallel_loop3A_218] : memref<32xf32, #tpu.memory_space<vmem>>[vector<16xi32>], vector<16xf32>,
        %parallel_loop3A_232 = arith.index_cast %parallel_loop3A_164 : i32 to index
        %parallel_loop3A_233 = arith.constant 112 : index
        %parallel_loop3A_234 = tpu.vector_load %arg6[%parallel_loop3A_232, %parallel_loop3A_233] {strides = array<i32>} : memref<128x128xf32, #tpu.memory_space<vmem>>, vector<16xf32>,
        tpu.vector_store %arg6[%parallel_loop3A_232, %parallel_loop3A_233], %parallel_loop3A_231 {strides = array<i32>} : memref<128x128xf32, #tpu.memory_space<vmem>>, vector<16xf32>,
      } {sc.loop_unroll_factor = 1 : i64, sc.parallel_access}
      %mul3A_136 = arith.constant 128 : i32
      %mul3A_137 = arith.muli %add3A_128, %mul3A_136 : i32
      %add3A_138 = arith.addi %add3A_35, %mul3A_137 : i32
      %dma_start3A_139 = arith.constant 0 : i32
      %dma_start3A_140 = tpu.memref_slice %arg3[%add3A_138, %dma_start3A_139] : memref<32768x128xf32, #tpu.memory_space<hbm>> -> memref<128x128xf32, #tpu.memory_space<hbm>>
      %dma_start3A_141 = arith.constant 0 : i32
      %dma_start3A_142 = tpu.memref_slice %arg3[%add3A_138, %dma_start3A_141] : memref<32768x128xf32, #tpu.memory_space<hbm>> -> memref<128x128xf32, #tpu.memory_space<hbm>>
      tpu.enqueue_dma source(%arg6 : memref<128x128xf32, #tpu.memory_space<vmem>>) target(%dma_start3A_142 : memref<128x128xf32, #tpu.memory_space<hbm>>) target_semaphore(%arg15 : memref<!tpu.dma_semaphore, #tpu.memory_space<semaphore_mem>>)
      %mul3A_143 = arith.constant 2 : i32
      %mul3A_144 = arith.muli %scan3A_124, %mul3A_143 : i32
      %add3A_145 = arith.constant 1 : i32
      %add3A_146 = arith.addi %mul3A_144, %add3A_145 : i32
      %gt3A_147 = arith.constant 0 : i32
      %gt3A_148 = arith.cmpi sgt, %scan3A_124, %gt3A_147 : i32
      %convert_element_type3A_149 = arith.extui %gt3A_148 : i1 to i32
      %cond3A_150 = arith.constant 0 : i32
      %cond3A_151 = arith.cmpi ne, %convert_element_type3A_149, %cond3A_150 : i32
      scf.if %cond3A_151 {
        %add3A_164 = arith.constant 0 : i32
        %add3A_165 = arith.addi %add3A_35, %add3A_164 : i32
        %dma_wait3A_166 = arith.constant 0 : i32
        %dma_wait3A_167 = tpu.memref_slice %arg3[%add3A_165, %dma_wait3A_166] : memref<32768x128xf32, #tpu.memory_space<hbm>> -> memref<128x128xf32, #tpu.memory_space<hbm>>
        %dma_wait3A_168 = arith.constant 0 : i32
        %dma_wait3A_169 = tpu.memref_slice %arg3[%add3A_165, %dma_wait3A_168] : memref<32768x128xf32, #tpu.memory_space<hbm>> -> memref<128x128xf32, #tpu.memory_space<hbm>>
        tpu.wait_dma2 semaphore(%arg16 : memref<!tpu.dma_semaphore, #tpu.memory_space<semaphore_mem>>) src(%arg7 : memref<128x128xf32, #tpu.memory_space<vmem>>) dst(%dma_wait3A_169 : memref<128x128xf32, #tpu.memory_space<hbm>>)
      } else {
      }
      %mul3A_152 = arith.constant 4096 : i32
      %mul3A_153 = arith.muli %add3A_146, %mul3A_152 : i32
      %parallel_loop3A_154 = arith.constant 0 : i32
      %parallel_loop3A_155 = arith.constant 128 : i32
      %parallel_loop3A_156 = arith.constant 1 : i32
      scf.for %parallel_loop3A_164 = %parallel_loop3A_154 to %parallel_loop3A_155 step %parallel_loop3A_156  : i32 {
        %parallel_loop3A_165 = arith.constant 32 : i32
        %parallel_loop3A_166 = arith.muli %parallel_loop3A_164, %parallel_loop3A_165 : i32
        %parallel_loop3A_167 = arith.addi %mul3A_153, %parallel_loop3A_166 : i32
        %parallel_loop3A_168 = arith.constant 0 : i32
        %parallel_loop3A_169 = arith.addi %parallel_loop3A_167, %parallel_loop3A_168 : i32
        %parallel_loop3A_170 = arith.index_cast %parallel_loop3A_169 : i32 to index
        %parallel_loop3A_171 = tpu.vector_load %arg8[%parallel_loop3A_170] {strides = array<i32>} : memref<32768xi32, #tpu.memory_space<vmem>>, vector<16xi32>,
        %parallel_loop3A_172 = arith.andi %parallel_loop3A_171, %broadcast_in_dim3A_106 : vector<16xi32>
        %parallel_loop3A_173 = arith.constant 8 : i32
        %parallel_loop3A_174 = vector.broadcast %parallel_loop3A_173 : i32 to vector<16xi32>
        %parallel_loop3A_175 = arith.shrsi %parallel_loop3A_171, %parallel_loop3A_174 : vector<16xi32>
        %parallel_loop3A_176 = arith.andi %parallel_loop3A_175, %broadcast_in_dim3A_106 : vector<16xi32>
        %parallel_loop3A_177 = arith.constant 16 : i32
        %parallel_loop3A_178 = vector.broadcast %parallel_loop3A_177 : i32 to vector<16xi32>
        %parallel_loop3A_179 = arith.shrsi %parallel_loop3A_171, %parallel_loop3A_178 : vector<16xi32>
        %parallel_loop3A_180 = arith.andi %parallel_loop3A_179, %broadcast_in_dim3A_106 : vector<16xi32>
        %parallel_loop3A_181 = arith.constant 24 : i32
        %parallel_loop3A_182 = vector.broadcast %parallel_loop3A_181 : i32 to vector<16xi32>
        %parallel_loop3A_183 = arith.shrsi %parallel_loop3A_171, %parallel_loop3A_182 : vector<16xi32>
        %parallel_loop3A_184 = tpu.vector_load_idx %arg11[%parallel_loop3A_172] : memref<32xf32, #tpu.memory_space<vmem>>[vector<16xi32>], vector<16xf32>,
        %parallel_loop3A_185 = arith.index_cast %parallel_loop3A_164 : i32 to index
        %parallel_loop3A_186 = arith.constant 0 : index
        %parallel_loop3A_187 = tpu.vector_load %arg7[%parallel_loop3A_185, %parallel_loop3A_186] {strides = array<i32>} : memref<128x128xf32, #tpu.memory_space<vmem>>, vector<16xf32>,
        tpu.vector_store %arg7[%parallel_loop3A_185, %parallel_loop3A_186], %parallel_loop3A_184 {strides = array<i32>} : memref<128x128xf32, #tpu.memory_space<vmem>>, vector<16xf32>,
        %parallel_loop3A_188 = tpu.vector_load_idx %arg11[%parallel_loop3A_176] : memref<32xf32, #tpu.memory_space<vmem>>[vector<16xi32>], vector<16xf32>,
        %parallel_loop3A_189 = arith.index_cast %parallel_loop3A_164 : i32 to index
        %parallel_loop3A_190 = arith.constant 16 : index
        %parallel_loop3A_191 = tpu.vector_load %arg7[%parallel_loop3A_189, %parallel_loop3A_190] {strides = array<i32>} : memref<128x128xf32, #tpu.memory_space<vmem>>, vector<16xf32>,
        tpu.vector_store %arg7[%parallel_loop3A_189, %parallel_loop3A_190], %parallel_loop3A_188 {strides = array<i32>} : memref<128x128xf32, #tpu.memory_space<vmem>>, vector<16xf32>,
        %parallel_loop3A_192 = tpu.vector_load_idx %arg11[%parallel_loop3A_180] : memref<32xf32, #tpu.memory_space<vmem>>[vector<16xi32>], vector<16xf32>,
        %parallel_loop3A_193 = arith.index_cast %parallel_loop3A_164 : i32 to index
        %parallel_loop3A_194 = arith.constant 32 : index
        %parallel_loop3A_195 = tpu.vector_load %arg7[%parallel_loop3A_193, %parallel_loop3A_194] {strides = array<i32>} : memref<128x128xf32, #tpu.memory_space<vmem>>, vector<16xf32>,
        tpu.vector_store %arg7[%parallel_loop3A_193, %parallel_loop3A_194], %parallel_loop3A_192 {strides = array<i32>} : memref<128x128xf32, #tpu.memory_space<vmem>>, vector<16xf32>,
        %parallel_loop3A_196 = tpu.vector_load_idx %arg11[%parallel_loop3A_183] : memref<32xf32, #tpu.memory_space<vmem>>[vector<16xi32>], vector<16xf32>,
        %parallel_loop3A_197 = arith.index_cast %parallel_loop3A_164 : i32 to index
        %parallel_loop3A_198 = arith.constant 48 : index
        %parallel_loop3A_199 = tpu.vector_load %arg7[%parallel_loop3A_197, %parallel_loop3A_198] {strides = array<i32>} : memref<128x128xf32, #tpu.memory_space<vmem>>, vector<16xf32>,
        tpu.vector_store %arg7[%parallel_loop3A_197, %parallel_loop3A_198], %parallel_loop3A_196 {strides = array<i32>} : memref<128x128xf32, #tpu.memory_space<vmem>>, vector<16xf32>,
        %parallel_loop3A_200 = arith.constant 32 : i32
        %parallel_loop3A_201 = arith.muli %parallel_loop3A_164, %parallel_loop3A_200 : i32
        %parallel_loop3A_202 = arith.addi %mul3A_153, %parallel_loop3A_201 : i32
        %parallel_loop3A_203 = arith.constant 16 : i32
        %parallel_loop3A_204 = arith.addi %parallel_loop3A_202, %parallel_loop3A_203 : i32
        %parallel_loop3A_205 = arith.index_cast %parallel_loop3A_204 : i32 to index
        %parallel_loop3A_206 = tpu.vector_load %arg8[%parallel_loop3A_205] {strides = array<i32>} : memref<32768xi32, #tpu.memory_space<vmem>>, vector<16xi32>,
        %parallel_loop3A_207 = arith.andi %parallel_loop3A_206, %broadcast_in_dim3A_106 : vector<16xi32>
        %parallel_loop3A_208 = arith.constant 8 : i32
        %parallel_loop3A_209 = vector.broadcast %parallel_loop3A_208 : i32 to vector<16xi32>
        %parallel_loop3A_210 = arith.shrsi %parallel_loop3A_206, %parallel_loop3A_209 : vector<16xi32>
        %parallel_loop3A_211 = arith.andi %parallel_loop3A_210, %broadcast_in_dim3A_106 : vector<16xi32>
        %parallel_loop3A_212 = arith.constant 16 : i32
        %parallel_loop3A_213 = vector.broadcast %parallel_loop3A_212 : i32 to vector<16xi32>
        %parallel_loop3A_214 = arith.shrsi %parallel_loop3A_206, %parallel_loop3A_213 : vector<16xi32>
        %parallel_loop3A_215 = arith.andi %parallel_loop3A_214, %broadcast_in_dim3A_106 : vector<16xi32>
        %parallel_loop3A_216 = arith.constant 24 : i32
        %parallel_loop3A_217 = vector.broadcast %parallel_loop3A_216 : i32 to vector<16xi32>
        %parallel_loop3A_218 = arith.shrsi %parallel_loop3A_206, %parallel_loop3A_217 : vector<16xi32>
        %parallel_loop3A_219 = tpu.vector_load_idx %arg11[%parallel_loop3A_207] : memref<32xf32, #tpu.memory_space<vmem>>[vector<16xi32>], vector<16xf32>,
        %parallel_loop3A_220 = arith.index_cast %parallel_loop3A_164 : i32 to index
        %parallel_loop3A_221 = arith.constant 64 : index
        %parallel_loop3A_222 = tpu.vector_load %arg7[%parallel_loop3A_220, %parallel_loop3A_221] {strides = array<i32>} : memref<128x128xf32, #tpu.memory_space<vmem>>, vector<16xf32>,
        tpu.vector_store %arg7[%parallel_loop3A_220, %parallel_loop3A_221], %parallel_loop3A_219 {strides = array<i32>} : memref<128x128xf32, #tpu.memory_space<vmem>>, vector<16xf32>,
        %parallel_loop3A_223 = tpu.vector_load_idx %arg11[%parallel_loop3A_211] : memref<32xf32, #tpu.memory_space<vmem>>[vector<16xi32>], vector<16xf32>,
        %parallel_loop3A_224 = arith.index_cast %parallel_loop3A_164 : i32 to index
        %parallel_loop3A_225 = arith.constant 80 : index
        %parallel_loop3A_226 = tpu.vector_load %arg7[%parallel_loop3A_224, %parallel_loop3A_225] {strides = array<i32>} : memref<128x128xf32, #tpu.memory_space<vmem>>, vector<16xf32>,
        tpu.vector_store %arg7[%parallel_loop3A_224, %parallel_loop3A_225], %parallel_loop3A_223 {strides = array<i32>} : memref<128x128xf32, #tpu.memory_space<vmem>>, vector<16xf32>,
        %parallel_loop3A_227 = tpu.vector_load_idx %arg11[%parallel_loop3A_215] : memref<32xf32, #tpu.memory_space<vmem>>[vector<16xi32>], vector<16xf32>,
        %parallel_loop3A_228 = arith.index_cast %parallel_loop3A_164 : i32 to index
        %parallel_loop3A_229 = arith.constant 96 : index
        %parallel_loop3A_230 = tpu.vector_load %arg7[%parallel_loop3A_228, %parallel_loop3A_229] {strides = array<i32>} : memref<128x128xf32, #tpu.memory_space<vmem>>, vector<16xf32>,
        tpu.vector_store %arg7[%parallel_loop3A_228, %parallel_loop3A_229], %parallel_loop3A_227 {strides = array<i32>} : memref<128x128xf32, #tpu.memory_space<vmem>>, vector<16xf32>,
        %parallel_loop3A_231 = tpu.vector_load_idx %arg11[%parallel_loop3A_218] : memref<32xf32, #tpu.memory_space<vmem>>[vector<16xi32>], vector<16xf32>,
        %parallel_loop3A_232 = arith.index_cast %parallel_loop3A_164 : i32 to index
        %parallel_loop3A_233 = arith.constant 112 : index
        %parallel_loop3A_234 = tpu.vector_load %arg7[%parallel_loop3A_232, %parallel_loop3A_233] {strides = array<i32>} : memref<128x128xf32, #tpu.memory_space<vmem>>, vector<16xf32>,
        tpu.vector_store %arg7[%parallel_loop3A_232, %parallel_loop3A_233], %parallel_loop3A_231 {strides = array<i32>} : memref<128x128xf32, #tpu.memory_space<vmem>>, vector<16xf32>,
      } {sc.loop_unroll_factor = 1 : i64, sc.parallel_access}
      %mul3A_157 = arith.constant 128 : i32
      %mul3A_158 = arith.muli %add3A_146, %mul3A_157 : i32
      %add3A_159 = arith.addi %add3A_35, %mul3A_158 : i32
      %dma_start3A_160 = arith.constant 0 : i32
      %dma_start3A_161 = tpu.memref_slice %arg3[%add3A_159, %dma_start3A_160] : memref<32768x128xf32, #tpu.memory_space<hbm>> -> memref<128x128xf32, #tpu.memory_space<hbm>>
      %dma_start3A_162 = arith.constant 0 : i32
      %dma_start3A_163 = tpu.memref_slice %arg3[%add3A_159, %dma_start3A_162] : memref<32768x128xf32, #tpu.memory_space<hbm>> -> memref<128x128xf32, #tpu.memory_space<hbm>>
      tpu.enqueue_dma source(%arg7 : memref<128x128xf32, #tpu.memory_space<vmem>>) target(%dma_start3A_163 : memref<128x128xf32, #tpu.memory_space<hbm>>) target_semaphore(%arg16 : memref<!tpu.dma_semaphore, #tpu.memory_space<semaphore_mem>>)
    }
    %scan3A_112 = arith.constant 4 : i32
    %add3A_113 = arith.constant 0 : i32
    %add3A_114 = arith.addi %add3A_35, %add3A_113 : i32
    %dma_wait3A = arith.constant 0 : i32
    %dma_wait3A_115 = tpu.memref_slice %arg3[%add3A_114, %dma_wait3A] : memref<32768x128xf32, #tpu.memory_space<hbm>> -> memref<128x128xf32, #tpu.memory_space<hbm>>
    %dma_wait3A_116 = arith.constant 0 : i32
    %dma_wait3A_117 = tpu.memref_slice %arg3[%add3A_114, %dma_wait3A_116] : memref<32768x128xf32, #tpu.memory_space<hbm>> -> memref<128x128xf32, #tpu.memory_space<hbm>>
    tpu.wait_dma2 semaphore(%arg15 : memref<!tpu.dma_semaphore, #tpu.memory_space<semaphore_mem>>) src(%arg6 : memref<128x128xf32, #tpu.memory_space<vmem>>) dst(%dma_wait3A_117 : memref<128x128xf32, #tpu.memory_space<hbm>>)
    %add3A_118 = arith.constant 0 : i32
    %add3A_119 = arith.addi %add3A_35, %add3A_118 : i32
    %dma_wait3A_120 = arith.constant 0 : i32
    %dma_wait3A_121 = tpu.memref_slice %arg3[%add3A_119, %dma_wait3A_120] : memref<32768x128xf32, #tpu.memory_space<hbm>> -> memref<128x128xf32, #tpu.memory_space<hbm>>
    %dma_wait3A_122 = arith.constant 0 : i32
    %dma_wait3A_123 = tpu.memref_slice %arg3[%add3A_119, %dma_wait3A_122] : memref<32768x128xf32, #tpu.memory_space<hbm>> -> memref<128x128xf32, #tpu.memory_space<hbm>>
    tpu.wait_dma2 semaphore(%arg16 : memref<!tpu.dma_semaphore, #tpu.memory_space<semaphore_mem>>) src(%arg7 : memref<128x128xf32, #tpu.memory_space<vmem>>) dst(%dma_wait3A_123 : memref<128x128xf32, #tpu.memory_space<hbm>>)
    return
  }
}

</mosaic_0001>

<sc_bundles>
// kernel: kernel.3.cloned.1.call-start
scs
__scs_entry_jumppad:
0x0: {  	(pc) =	sbr.rel $0x88, $3  }
0x1: {  	(tag) =	ssettag $0x0;
	lr =	simm.s32 $0x1  }
0x2: {  	[smem:$0x3FA0] =	sst lr;
	_ =	strace $0xD0000000  }
0x3: {  	_ = 	snop  }
0x4: {  	_ = 	snop  }
0x5: {  	_ = 	snop  }
0x6: {  	_ = 	snop  }
0x7: {  	_ = 	snop  }
__scs_overlays_trampoline_lowered:
0x8: {  	[smem:$0x3FAF] =	sst s0  }
0x9: {  	[smem:$0x3FB0] =	sst s1  }
0xa: {  	[smem:$0x3FB1] =	sst s2  }
0xb: {  	[smem:$0x3FB2] =	sst s3  }
0xc: {  	[smem:$0x3FB3] =	sst s4  }
0xd: {  	[smem:$0x3FB4] =	sst s5  }
0xe: {  	[smem:$0x3FB5] =	sst s6  }
0xf: {  	[smem:$0x3FB6] =	sst s7  }
0x10: {  	[smem:$0x3FB7] =	sst s8  }
0x11: {  	[smem:$0x3FB8] =	sst s9;
	s0 =	simm.s32 @!p0 $0x0  }
0x12: {  	s1 =	sld [smem:$0x3F9E];
	s0 =	simm.s32 @p0 $0x1  }
0x13: {  	[smem:$0x3FB9] =	sst s0;
	s0 =	simm.s32 @!p1 $0x0  }
0x14: {  	s2 =	sld [smem:$0x3F9D];
	s0 =	simm.s32 @p1 $0x1  }
0x15: {  	[smem:$0x3FBA] =	sst s0;
	s0 =	simm.s32 @!p2 $0x0  }
0x16: {  	s3 =	sld [smem:$0x3FDB];
	s0 =	simm.s32 @p2 $0x1  }
0x17: {  	s4 =	simm.s32 $0x1BF5;
	[smem:$0x3FBC] =	sst s0  }
0x18: {  	s0 =	sld [smem:$0x3F9F];
	_ =	swait.ge [sflag:s4], $0x0  }
0x19: {  	s7 =	sld [smem:$0x3FA0]  }
0x1a: {  	s8 =	sadd.s32 $0xFFFFE003, lr  }
0x1b: {  	s9 =	sadd.s32 $0xFFFFFEF7, lr;
	s5 =	simm.s32 $0xFFFFFFFF;
	p2 =	slt.u32 s8, $0xFFFFF086  }
0x1c: {  	p1 =	slt.u32 s9, $0xF7A;
	s5 =	simm.s32 @!p2 $0x0  }
0x1d: {  	s5 =	simm.s32 @p1 $0x1;
	p0 =	seq.s32 s7, s2  }
0x1e: {  	s7 =	smul.u32 @!p0 $0xF7A, s2;
	p2 =	seq.s32 @!p0 s5, $0x0  }
0x1f: {  	s9 =	smul.u32 $0xF7A, s1;
	s8 =	simm.s32 @!p0 $0x1BF5;
	p2 =	por !p2, p0  }
0x20: {  	[sflag:s8] =	ssyncset.s32 @!p0 $0xFFFFF086;
	s6 =	sadd.s32 @!p0 s3, s7;
	s7 =	simm.s32 @!p0 $0x108  }
0x21: {  	s3 =	sadd.s32 s3, s9;
	s6 =	sadd.s32 @!p0 $0x88, s6;
	s7 =	simm.s32 @p2 $0x1082  }
0x22: {  	[simem:s7], [sflag:s8] =	dma.local @!p0 [hbm:s6], $0xF7A  }
0x23: {  	s9 =	sor.u32 $0xD0000000, s2;
	s6 =	simm.s32 $0x108;
	_ =	swait.ge @!p0 [sflag:s8], $0x0  }
0x24: {  	s3 =	sadd.s32 $0x88, s3;
	s6 =	simm.s32 @!p1 $0x1082;
	[sflag:s4] =	ssyncset.s32 $0xFFFFF086  }
0x25: {  	[simem:s6], [sflag:s4] =	dma.local [hbm:s3], $0xF7A  }
0x26: {  	[smem:$0x3FA0] =	sst s1;
	(tag) =	ssettag s2;
	_ =	strace s9  }
0x27: {  	s1 =	sld [smem:$0x3FB0]  }
0x28: {  	s2 =	sld [smem:$0x3FB1]  }
0x29: {  	s4 =	sld [smem:$0x3FB3]  }
0x2a: {  	p0 =	seq.s32 s5, $0x0;
	s5 =	sld [smem:$0x3FB4]  }
0x2b: {  	s6 =	sld [smem:$0x3FB5]  }
0x2c: {  	s7 =	sld [smem:$0x3FB6]  }
0x2d: {  	s3 =	simm.s32 $0x108;
	s8 =	sld [smem:$0x3FB7]  }
0x2e: {  	s3 =	simm.s32 @!p0 $0x1082;
	s9 =	sld [smem:$0x3FB8]  }
0x2f: {  	lr =	sadd.s32 s0, s3;
	s0 =	sld [smem:$0x3FAF]  }
0x30: {  	s3 =	sld [smem:$0x3FB2]  }
0x31: {  	[smem:$0x3FBB] =	sst s10  }
0x32: {  	s10 =	sld [smem:$0x3FB9];
	_ =	sdelay $0x3  }
0x33: {  	p0 =	seq.s32 s10, $0x1;
	s10 =	sld [smem:$0x3FBB];
	_ =	sdelay $0x3  }
0x34: {  	[smem:$0x3FBB] =	sst s10  }
0x35: {  	s10 =	sld [smem:$0x3FBA];
	_ =	sdelay $0x3  }
0x36: {  	p1 =	seq.s32 s10, $0x1;
	s10 =	sld [smem:$0x3FBB];
	_ =	sdelay $0x3  }
0x37: {  	[smem:$0x3FBB] =	sst s10  }
0x38: {  	s10 =	sld [smem:$0x3FBC]  }
0x39: {  	_ = 	snop;
	(pc) =	sbr.ind lr, $3  }
0x3a: {  	_ = 	snop  }
0x3b: {  	_ = 	snop  }
0x3c: {  	p2 =	seq.s32 s10, $0x1;
	s10 =	sld [smem:$0x3FBB]  }
0x3d: {  	_ =	shalt  }
0x3e: {  	_ =	shalt  }
0x3f: {  	_ =	shalt  }
0x40: {  	_ =	shalt  }
0x41: {  	_ =	shalt  }
0x42: {  	_ =	shalt  }
0x43: {  	_ =	shalt  }
0x44: {  	_ =	shalt  }
0x45: {  	_ =	shalt  }
0x46: {  	_ =	shalt  }
0x47: {  	_ =	shalt  }
0x48: {  	_ =	shalt  }
0x49: {  	_ =	shalt  }
0x4a: {  	_ =	shalt  }
0x4b: {  	_ =	shalt  }
0x4c: {  	_ =	shalt  }
0x4d: {  	_ =	shalt  }
0x4e: {  	_ =	shalt  }
0x4f: {  	_ =	shalt  }
0x50: {  	_ =	shalt  }
0x51: {  	_ =	shalt  }
0x52: {  	_ =	shalt  }
0x53: {  	_ =	shalt  }
0x54: {  	_ =	shalt  }
0x55: {  	_ =	shalt  }
0x56: {  	_ =	shalt  }
0x57: {  	_ =	shalt  }
0x58: {  	_ =	shalt  }
0x59: {  	_ =	shalt  }
0x5a: {  	_ =	shalt  }
0x5b: {  	_ =	shalt  }
0x5c: {  	_ =	shalt  }
0x5d: {  	_ =	shalt  }
0x5e: {  	_ =	shalt  }
0x5f: {  	_ =	shalt  }
0x60: {  	_ =	shalt  }
0x61: {  	_ =	shalt  }
0x62: {  	_ =	shalt  }
0x63: {  	_ =	shalt  }
0x64: {  	_ =	shalt  }
0x65: {  	_ =	shalt  }
0x66: {  	_ =	shalt  }
0x67: {  	_ =	shalt  }
0x68: {  	_ =	shalt  }
0x69: {  	_ =	shalt  }
0x6a: {  	_ =	shalt  }
0x6b: {  	_ =	shalt  }
0x6c: {  	_ =	shalt  }
0x6d: {  	_ =	shalt  }
0x6e: {  	_ =	shalt  }
0x6f: {  	_ =	shalt  }
0x70: {  	_ =	shalt  }
0x71: {  	_ =	shalt  }
0x72: {  	_ =	shalt  }
0x73: {  	_ =	shalt  }
0x74: {  	_ =	shalt  }
0x75: {  	_ =	shalt  }
0x76: {  	_ =	shalt  }
0x77: {  	_ =	shalt  }
0x78: {  	_ =	shalt  }
0x79: {  	_ =	shalt  }
0x7a: {  	_ =	shalt  }
0x7b: {  	_ =	shalt  }
0x7c: {  	_ =	shalt  }
0x7d: {  	_ =	shalt  }
0x7e: {  	_ =	shalt  }
0x7f: {  	_ =	shalt  }
0x80: {  	_ =	shalt  }
0x81: {  	_ =	shalt  }
0x82: {  	_ =	shalt  }
0x83: {  	_ =	shalt  }
0x84: {  	_ =	shalt  }
0x85: {  	_ =	shalt  }
0x86: {  	_ =	shalt  }
0x87: {  	_ =	shalt  }
.Lfunc_end0:
.L_simem_size_0:
called_computation_lowered:
.L_overlay_start_0:
0x88: {  	s2 =	sld [smem:$0x3FD9]  }
0x89: {  	s3 =	sld [smem:$0x3FFE];
	_ =	sdelay $0x1  }
0x8a: {  	s1 =	srdreg.scid  }
0x8b: {  	s0 =	sand.u32 $0x1, s1  }
0x8c: {  	s18 =	sshll.u32 s0, $0xA;
	s2 =	sadd.s32 s3, s2  }
0x8d: {  	s2 =	sadd.s32 s2, s18  }
0x8e: {  	[smem:$0x3FC7] =	sst s2  }
0x8f: {  	_ = 	snop  }
0x90: {  	s2 =	sld [smem:$0x3FC9]  }
0x91: {  	s19 =	sld [smem:$0x3FD0];
	(tm) =	ssettm $0x1  }
0x92: {  	s4 =	sld [smem:$0x3FFB];
	_ =	sdelay $0x3  }
0x93: {  	_ =	strace s4  }
0x94: {  	s4 =	sld [smem:$0x3FFC];
	_ =	sdelay $0x3  }
0x95: {  	_ =	strace s4  }
0x96: {  	s4 =	sld [smem:$0x3FFD];
	_ =	sdelay $0x3  }
0x97: {  	_ =	strace s4  }
0x98: {  	_ =	strace $0x8FFFFFFF  }
0x99: {  	s20 =	sld [smem:$0x3FDB];
	_ =	sdelay $0x1  }
0x9a: {  	s5 =	simm.s32 $_scs_section_size  }
0x9b: {  	s6 =	simm.s32 $_size__tile_overlayer_lowered;
	s7 =	simm.s32 $_tile_overlayer_lowered  }
0x9c: {  	s23 =	simm.s32 $0x1BFF;
	s22 =	sshll.u32 s7, $0x1;
	s4 =	sadd.s32 s5, s20  }
0x9d: {  	s8 =	simm.s32 $0x0;
	s21 =	sshll.u32 s6, $0x1;
	s6 =	sadd.s32 s22, s4  }
0x9e: {  	[timem:s8], [sflag:s23] =	dma.local [hbm:s6], s21  }
0x9f: {  	_ =	swait.ge [sflag:s23], s21  }
0xa0: {  	s5 =	ssub.s32 $0x0, s21;
	[sflag:s23] =	ssyncset.done $0x0  }
0xa1: {  	[sflag:s23] =	ssyncadd.s32 s5;
	_ =	sdelay $0x1  }
0xa2: {  	s24 =	simm.s32 $0x1B8B  }
0xa3: {  	_ =	swait.ge [sflag:s24], $0x1  }
0xa4: {  	[sflag:s24] =	ssyncset.done $0x0  }
0xa5: {  	s25 =	simm.s32 $0x1B8E;
	[sflag:s24] =	ssyncadd.s32 $0xFFFFFFFF  }
0xa6: {  	s26 =	simm.s32 $execute0_lowered;
	[smem:$0x3FD2] =	sst s25  }
0xa7: {  	s5 =	sshll.u32 s26, $0x1;
	_ =	strace $0x80000046;
	[dreg:$0x1] =	wrdreg $0xFFFFFFFF  }
0xa8: {  	s28 =	simm.s32 $_size_execute0_lowered;
	s4 =	sadd.s32 s4, s5;
	[dreg:$0x0] =	wrdreg $0x0  }
0xa9: {  	s5 =	sshll.u32 s28, $0x1;
	[dreg:$0x2] =	wrdreg s4  }
0xaa: {  	[dreg:$0x3] =	wrdreg s5  }
0xab: {  	[dreg:$0x4] =	wrdreg $0xC0  }
0xac: {  	_ =	task [dreg:s8], $0x5FFFF  }
0xad: {  	[dreg:$0x1] =	wrdreg $0xFFFFFFFF  }
0xae: {  	[dreg:$0x0] =	wrdreg $0x60  }
0xaf: {  	[dreg:$0x2] =	wrdreg s2  }
0xb0: {  	[dreg:$0x3] =	wrdreg s19  }
0xb1: {  	[dreg:$0x4] =	wrdreg $0x184800  }
0xb2: {  	[dreg:$0x5] =	wrdreg $0x9  }
0xb3: {  	_ =	task.clear_ibuf [dreg:s8], $0x6FFFF;
	_ =	strace $0x90000046  }
0xb4: {  	s29 =	simm.s32 $0x9;
	_ =	strace $0x80000048  }
0xb5: {  	_ =	swait.ge [sflag:s29], $0x1  }
0xb6: {  	[sflag:s29] =	ssyncadd.s32 $0xFFFFFFFF  }
0xb7: {  	_ =	strace $0x90000048  }
0xb8: {  	_ =	sfence  }
0xb9: {  	s30 =	sld [smem:$0x0];
	_ =	sdelay $0x2  }
0xba: {  	s31 =	sshll.u32 s1, $0xD;
	s1 =	sshrl.u32 s1, $0x2  }
0xbb: {  	s3 =	sand.u32 $0x4000, s31;
	s1 =	sadd.s32 s1, s30  }
0xbc: {  	s0 =	sor.u32 s3, s0;
	s1 =	sshll.u32 s1, $0x11  }
0xbd: {  	s0 =	sor.u32 s1, s0  }
0xbe: {  	s0 =	sadd.s32 $0x8F2B, s0  }
0xbf: {  	[sflag:s0] =	ssyncadd.remote.s32 $0x1  }
0xc0: {  	_ =	sfence.sel $0xFFFF  }
0xc1: {  	[dreg:$0x0] =	wrdreg $0xFFFFFFFF;
	(pc) =	sbr.abs _section_cstart, $3  }
0xc2: {  	[dreg:$0x1] =	wrdreg $0xFFFFFFFF  }
0xc3: {  	_ =	task.clear_ibuf [dreg:s8], $0x2FFFF;
	_ =	strace $0x9FFFFFFF  }
0xc4: {  	(tm) =	ssettm $0x7FFFFFFF  }
0xc5: {  	_ =	shalt  }
tec
execute0_lowered:
.L_overlay_start_1:
0x0: {  	(tag) =	ssettag $0x1  }
0x1: {  	s2 =	rddreg [dreg:$0x0]  }
0x2: {  	s0 =	rddreg [dreg:$0x1];
	s1 =	srdreg.scid  }
0x3: {  	s4 =	rddreg [dreg:$0x2];
	s7 =	stileid.u32;
	s3 =	simm.s32 $0x0  }
0x4: {  	s13 =	simm.s32 $0x1;
	s14 =	simm.s32 $0x18000;
	s15 =	simm.s32 $0x2  }
0x5: {  	s17 =	simm.s32 $0x18200;
	s18 =	simm.s32 $0x18400;
	s19 =	simm.s32 $0x8000  }
0x6: {  	s20 =	simm.s32 $0xC000;
	s1 =	sand.u32 $0x1, s1;
	s6 =	sshll.u32 s7, $0xA  }
0x7: {  	[smem:$0x7FF] =	sst s3;
	s9 =	sshll.u32 s7, $0x9;
	s5 =	sshll.u32 s1, $0xE  }
0x8: {  	s1 =	ssub.s32 $0x2, s1;
	_ =	strace $0x80000047;
	s29 =	sadd.s32 s9, s4  }
0x9: {  	s30 =	sxor.u32 $0x200, s9;
	s5 =	sor.u32 s6, s5;
	s26 =	sshrl.u32 s1, $0x1  }
0xa: {  	[dreg:$0x6] =	wrdreg s29;
	s4 =	sadd.s32 s30, s4;
	s8 =	sshll.u32 s5, $0x4  }
0xb: {  	v0 =	vlaneseq.u32;
	s1 =	ssub.s32 s1, s26;
	[dreg:$0x7] =	wrdreg s4;
	s28 =	sadd.s32 s2, s8  }
0xc: {  	v1 =	vmul.u32 $0x10, v0;
	s7 =	sor.u32 $0x180, s5;
	s31 =	smax.u32 s1, $0x1;
	[dreg:$0x4] =	wrdreg s28  }
0xd: {  	s4 =	simm.s32 $0x0;
	s6 =	sadd.s32 $0x800, s28;
	[dreg:$0x8] =	wrdreg s31  }
0xe: {  	v2 =	vimm.f32 $0.0e+00;
	v3 =	vimm.f32 $1.000000000e+00;
	v4 =	vor.u32 $0x100, v1;
	s10 =	sadd.s32 s0, s8;
	[dreg:$0x5] =	wrdreg s6;
	s6 =	sor.u32 $0x100, s5  }
.LBB2_1:
0xf: {  	[tilespmem:$0x18000] =	vst v2  }
0x10: {  	[tilespmem:$0x18010] =	vst v2  }
0x11: {  	[tilespmem:$0x18020] =	vst v2  }
0x12: {  	[tilespmem:$0x18030] =	vst v2  }
0x13: {  	[tilespmem:$0x18040] =	vst v2  }
0x14: {  	[tilespmem:$0x18050] =	vst v2  }
0x15: {  	[tilespmem:$0x18060] =	vst v2  }
0x16: {  	[tilespmem:$0x18070] =	vst v2  }
0x17: {  	[tilespmem:$0x18080] =	vst v2  }
0x18: {  	[tilespmem:$0x18090] =	vst v2  }
0x19: {  	[tilespmem:$0x180A0] =	vst v2  }
0x1a: {  	[tilespmem:$0x180B0] =	vst v2  }
0x1b: {  	[tilespmem:$0x180C0] =	vst v2  }
0x1c: {  	[tilespmem:$0x180D0] =	vst v2  }
0x1d: {  	[tilespmem:$0x180E0] =	vst v2  }
0x1e: {  	[tilespmem:$0x180F0] =	vst v2  }
0x1f: {  	[tilespmem:$0x18100] =	vst v2  }
0x20: {  	[tilespmem:$0x18110] =	vst v2  }
0x21: {  	[tilespmem:$0x18120] =	vst v2  }
0x22: {  	[tilespmem:$0x18130] =	vst v2  }
0x23: {  	[tilespmem:$0x18140] =	vst v2  }
0x24: {  	[tilespmem:$0x18150] =	vst v2  }
0x25: {  	[tilespmem:$0x18160] =	vst v2  }
0x26: {  	[tilespmem:$0x18170] =	vst v2  }
0x27: {  	[tilespmem:$0x18180] =	vst v2  }
0x28: {  	[tilespmem:$0x18190] =	vst v2  }
0x29: {  	[tilespmem:$0x181A0] =	vst v2  }
0x2a: {  	[tilespmem:$0x181B0] =	vst v2  }
0x2b: {  	[tilespmem:$0x181C0] =	vst v2  }
0x2c: {  	[tilespmem:$0x181D0] =	vst v2  }
0x2d: {  	[dreg:$0x9] =	wrdreg s4;
	[tilespmem:$0x181E0] =	vst v2  }
0x2e: {  	[tilespmem:$0x181F0] =	vst v2;
	s0 =	rddreg [dreg:$0x4]  }
0x2f: {  	[tilespmem:s3], [sflag:$0x1] =	stream.linear.gather [hbm4b:s0+s3], $0x4000, $0x38;
	[tilespmem:$0x18680] =	vst v63  }
0x30: {  	s31 =	rddreg [dreg:$0x5];
	s1 =	simm.s32 $0x4000;
	s24 =	simm.s32 $0x0  }
0x31: {  	[tilespmem:s1], [sflag:$0x2] =	stream.linear.gather [hbm4b:s31+s3], $0x4000, $0x38;
	[tilespmem:$0x18680] =	vst v63  }
.LBB2_2:
0x32: {  	_ =	swait.ge [sflag:s13], $0x4000  }
0x33: {  	[sflag:s13] =	ssyncset.done $0x0  }
0x34: {  	s4 =	simm.s32 $0x40;
	[sflag:s13] =	ssyncadd.s32 $0xFFFFC000  }
0x35: {  	v5 =	vld [tilespmem:s4+$0xFFFFFFC0];
	_ =	sdelay $0x4  }
0x36: {  	v6 =	vshll.u32 v5, $0x4  }
0x37: {  	v6 =	vor.u32 v0, v6;
	_ =	sdelay $0x4  }
0x38: {  	[tilespmem:v6+s14+$0x0] =	vst.idx.add.f32.msk $0xffff, v3  }
0x39: {  	v6 =	vld [tilespmem:s4+$0xFFFFFFD0];
	_ =	sdelay $0x3  }
0x3a: {  	s26 =	simm.s32 $0xC0  }
0x3b: {  	v7 =	vld [tilespmem:s26+$0xFFFFFFC0];
	v8 =	vshll.u32 v6, $0x4  }
0x3c: {  	v8 =	vor.u32 v0, v8;
	_ =	sdelay $0x3  }
0x3d: {  	v9 =	vshll.u32 v7, $0x4  }
0x3e: {  	v9 =	vor.u32 v0, v9;
	[tilespmem:v8+s14+$0x0] =	vst.idx.add.f32.msk $0xffff, v3  }
0x3f: {  	v8 =	vld [tilespmem:s4+$0xFFFFFFE0];
	_ =	sdelay $0x3  }
0x40: {  	[tilespmem:v9+s14+$0x0] =	vst.idx.add.f32.msk $0xffff, v3  }
0x41: {  	v9 =	vld [tilespmem:s26+$0xFFFFFFD0];
	v10 =	vshll.u32 v8, $0x4  }
0x42: {  	v10 =	vor.u32 v0, v10;
	_ =	sdelay $0x1  }
0x43: {  	s28 =	simm.s32 $0x140  }
0x44: {  	v11 =	vld [tilespmem:s28+$0xFFFFFFC0]  }
0x45: {  	v12 =	vshll.u32 v9, $0x4  }
0x46: {  	v12 =	vor.u32 v0, v12;
	[tilespmem:v10+s14+$0x0] =	vst.idx.add.f32.msk $0xffff, v3  }
0x47: {  	v10 =	vld [tilespmem:s4+$0xFFFFFFF0];
	_ =	sdelay $0x1  }
0x48: {  	v13 =	vshll.u32 v11, $0x4  }
0x49: {  	v13 =	vor.u32 v0, v13  }
0x4a: {  	[tilespmem:v12+s14+$0x0] =	vst.idx.add.f32.msk $0xffff, v3  }
0x4b: {  	v12 =	vld [tilespmem:s26+$0xFFFFFFE0];
	v14 =	vshll.u32 v10, $0x4  }
0x4c: {  	v14 =	vor.u32 v0, v14;
	_ =	sdelay $0x1  }
0x4d: {  	s0 =	sshll.u32 s24, $0xF;
	[tilespmem:v13+s14+$0x0] =	vst.idx.add.f32.msk $0xffff, v3  }
0x4e: {  	s1 =	simm.s32 $0x0;
	s0 =	sshra.s32 s0, $0x2;
	v13 =	vld [tilespmem:s28+$0xFFFFFFD0];
	v6 =	vshll.u32 v6, $0x8;
	v8 =	vshll.u32 v8, $0x10  }
0x4f: {  	s9 =	sand.u32 $0xF80, s1;
	s25 =	sadd.s32 $0x10000, s0;
	v15 =	vshll.u32 v12, $0x4;
	v6 =	vor.u32 v8, v6;
	v10 =	vshll.u32 v10, $0x18  }
0x50: {  	s30 =	simm.s32 $0x1C0;
	s1 =	sand.u32 $0x60, s1;
	s0 =	sadd.s32 s9, s25;
	v8 =	vor.u32 v0, v15;
	v6 =	vor.u32 v10, v6;
	[tilespmem:v14+s14+$0x0] =	vst.idx.add.f32.msk $0xffff, v3  }
0x51: {  	s29 =	sadd.s32 s1, s0;
	v5 =	vor.u32 v5, v6;
	v14 =	vld [tilespmem:s30+$0xFFFFFFC0]  }
0x52: {  	[tilespmem:s29+$0x0] =	vst v5  }
0x53: {  	v5 =	vshll.u32 v13, $0x4;
	v15 =	vld [tilespmem:s4+$0x0]  }
0x54: {  	v5 =	vor.u32 v0, v5  }
0x55: {  	[tilespmem:v8+s14+$0x0] =	vst.idx.add.f32.msk $0xffff, v3  }
0x56: {  	v6 =	vld [tilespmem:s26+$0xFFFFFFF0];
	v8 =	vshll.u32 v14, $0x4  }
0x57: {  	v8 =	vor.u32 v0, v8  }
0x58: {  	v10 =	vshll.u32 v15, $0x4  }
0x59: {  	[tilespmem:v5+s14+$0x0] =	vst.idx.add.f32.msk $0xffff, v3;
	v5 =	vor.u32 v0, v10;
	_ =	sdelay $0x1  }
0x5a: {  	v16 =	vshll.u32 v6, $0x4;
	v10 =	vld [tilespmem:s28+$0xFFFFFFE0]  }
0x5b: {  	v16 =	vor.u32 v0, v16;
	[tilespmem:v8+s14+$0x0] =	vst.idx.add.f32.msk $0xffff, v3  }
0x5c: {  	v17 =	vld [tilespmem:s30+$0xFFFFFFD0]  }
0x5d: {  	s11 =	simm.s32 $0x20;
	s0 =	simm.s32 $0x240;
	v9 =	vshll.u32 v9, $0x8;
	v8 =	vshll.u32 v12, $0x10;
	[tilespmem:v5+s14+$0x0] =	vst.idx.add.f32.msk $0xffff, v3  }
0x5e: {  	s12 =	sand.u32 $0xF80, s11;
	v5 =	vshll.u32 v6, $0x18;
	v6 =	vor.u32 v8, v9;
	v8 =	vld [tilespmem:s0+$0xFFFFFFC0]  }
0x5f: {  	s5 =	sand.u32 $0x60, s11;
	s1 =	sadd.s32 s12, s25;
	v12 =	vshll.u32 v10, $0x4;
	v18 =	vld [tilespmem:s4+$0x10];
	v5 =	vor.u32 v5, v6  }
0x60: {  	s31 =	sadd.s32 s5, s1;
	[tilespmem:v16+s14+$0x0] =	vst.idx.add.f32.msk $0xffff, v3;
	v9 =	vor.u32 v0, v12;
	v5 =	vor.u32 v7, v5  }
0x61: {  	[tilespmem:s31+$0x0] =	vst v5;
	v6 =	vshll.u32 v17, $0x4  }
0x62: {  	v5 =	vld [tilespmem:s26+$0x0];
	v6 =	vor.u32 v0, v6  }
0x63: {  	v12 =	vshll.u32 v8, $0x4  }
0x64: {  	v7 =	vshll.u32 v18, $0x4;
	v12 =	vor.u32 v0, v12  }
0x65: {  	[tilespmem:v9+s14+$0x0] =	vst.idx.add.f32.msk $0xffff, v3;
	v7 =	vor.u32 v0, v7  }
0x66: {  	v9 =	vld [tilespmem:s28+$0xFFFFFFF0]  }
0x67: {  	v16 =	vshll.u32 v5, $0x4;
	[tilespmem:v6+s14+$0x0] =	vst.idx.add.f32.msk $0xffff, v3  }
0x68: {  	v6 =	vor.u32 v0, v16;
	v16 =	vld [tilespmem:s30+$0xFFFFFFE0]  }
0x69: {  	[tilespmem:v12+s14+$0x0] =	vst.idx.add.f32.msk $0xffff, v3  }
0x6a: {  	[tilespmem:v7+s14+$0x0] =	vst.idx.add.f32.msk $0xffff, v3  }
0x6b: {  	v19 =	vshll.u32 v9, $0x4;
	v12 =	vld [tilespmem:s0+$0xFFFFFFD0]  }
0x6c: {  	v19 =	vor.u32 v0, v19;
	v20 =	vld [tilespmem:s4+$0x20]  }
0x6d: {  	v7 =	vshll.u32 v10, $0x10;
	v10 =	vshll.u32 v13, $0x8  }
0x6e: {  	s16 =	simm.s32 $0x40;
	[tilespmem:v6+s14+$0x0] =	vst.idx.add.f32.msk $0xffff, v3;
	v6 =	vshll.u32 v9, $0x18;
	v9 =	vor.u32 v7, v10;
	v13 =	vshll.u32 v16, $0x4  }
0x6f: {  	s21 =	sand.u32 $0xF80, s16;
	s5 =	simm.s32 $0x2C0;
	v7 =	vld [tilespmem:s26+$0x10];
	v6 =	vor.u32 v6, v9;
	v13 =	vor.u32 v0, v13  }
0x70: {  	s8 =	sadd.s32 s21, s25;
	s1 =	sand.u32 $0x60, s16;
	v10 =	vld [tilespmem:s5+$0xFFFFFFC0];
	v6 =	vor.u32 v11, v6;
	v11 =	vshll.u32 v12, $0x4  }
0x71: {  	s1 =	sadd.s32 s1, s8;
	[tilespmem:v19+s14+$0x0] =	vst.idx.add.f32.msk $0xffff, v3;
	v9 =	vshll.u32 v20, $0x4;
	v11 =	vor.u32 v0, v11  }
0x72: {  	v9 =	vor.u32 v0, v9;
	[tilespmem:s1+$0x0] =	vst v6  }
0x73: {  	v6 =	vld [tilespmem:s28+$0x0]  }
0x74: {  	[tilespmem:v13+s14+$0x0] =	vst.idx.add.f32.msk $0xffff, v3;
	v13 =	vshll.u32 v7, $0x4  }
0x75: {  	v19 =	vld [tilespmem:s30+$0xFFFFFFF0];
	v13 =	vor.u32 v0, v13  }
0x76: {  	v21 =	vshll.u32 v10, $0x4;
	[tilespmem:v11+s14+$0x0] =	vst.idx.add.f32.msk $0xffff, v3  }
0x77: {  	[tilespmem:v9+s14+$0x0] =	vst.idx.add.f32.msk $0xffff, v3;
	v9 =	vor.u32 v0, v21  }
0x78: {  	v61 =	vld [tilespmem:s4+$0x30];
	v22 =	vshll.u32 v6, $0x4  }
0x79: {  	v17 =	vshll.u32 v17, $0x8;
	v16 =	vshll.u32 v16, $0x10;
	v62 =	vld [tilespmem:s0+$0xFFFFFFE0];
	v11 =	vor.u32 v0, v22  }
0x7a: {  	v18 =	vshll.u32 v18, $0x8;
	v16 =	vor.u32 v16, v17;
	v23 =	vshll.u32 v19, $0x4;
	[tilespmem:v13+s14+$0x0] =	vst.idx.add.f32.msk $0xffff, v3  }
0x7b: {  	v13 =	vshll.u32 v20, $0x10;
	v19 =	vshll.u32 v19, $0x18;
	v20 =	vor.u32 v0, v23;
	v63 =	vld [tilespmem:s26+$0x20]  }
0x7c: {  	[tilespmem:v9+s14+$0x0] =	vst.idx.add.f32.msk $0xffff, v3;
	v9 =	vor.u32 v19, v16;
	v13 =	vor.u32 v13, v18  }
0x7d: {  	s22 =	simm.s32 $0x60;
	v16 =	vld [tilespmem:s5+$0xFFFFFFD0];
	v24 =	vor.u32 v14, v9;
	v9 =	vshll.u32 v61, $0x4;
	v17 =	vshll.u32 v61, $0x18  }
0x7e: {  	s23 =	sand.u32 $0xF80, s22;
	[tilespmem:v11+s14+$0x0] =	vst.idx.add.f32.msk $0xffff, v3;
	v14 =	vor.u32 v0, v9;
	v11 =	vor.u32 v17, v13;
	v13 =	vshll.u32 v62, $0x4  }
0x7f: {  	s9 =	sadd.s32 s23, s25;
	s4 =	sand.u32 $0x60, s22;
	v9 =	vld [tilespmem:s28+$0x10];
	v19 =	vor.u32 v0, v13  }
0x80: {  	s11 =	simm.s32 $0xA0;
	s8 =	simm.s32 $0x340;
	s9 =	sadd.s32 s4, s9;
	v11 =	vor.u32 v15, v11;
	[tilespmem:v20+s14+$0x0] =	vst.idx.add.f32.msk $0xffff, v3;
	v15 =	vshll.u32 v63, $0x4  }
0x81: {  	s21 =	simm.s32 $0x80;
	s22 =	simm.s32 $0xE0;
	s4 =	simm.s32 $0xC0;
	v18 =	vshll.u32 v62, $0x10;
	v17 =	vld [tilespmem:s8+$0xFFFFFFC0];
	v13 =	vshll.u32 v63, $0x10;
	[tilespmem:s9+$0x0] =	vst v24;
	v15 =	vor.u32 v0, v15  }
.LBB2_3:
0x82: {  	p0 =	sne.s32 s22, $0xFE0;
	v20 =	vshll.u32 v16, $0x4;
	v21 =	vld [tilespmem:s30+$0x0];
	s16 =	smov.u32 s22;
	s22 =	sadd.s32 $0x20, s22  }
0x83: {  	v20 =	vor.u32 v0, v20;
	[tilespmem:v14+s14+$0x0] =	vst.idx.add.f32.msk $0xffff, v3  }
0x84: {  	[tilespmem:v19+s14+$0x0] =	vst.idx.add.f32.msk $0xffff, v3;
	v14 =	vshll.u32 v9, $0x4  }
0x85: {  	v19 =	vld [tilespmem:s0+$0xFFFFFFF0];
	v14 =	vor.u32 v0, v14;
	[tilespmem:s29+$0x10] =	vst v11;
	s29 =	smov.u32 s31;
	s31 =	smov.u32 s1;
	s1 =	smov.u32 s9  }
0x86: {  	v11 =	vshll.u32 v17, $0x4;
	[tilespmem:v15+s14+$0x0] =	vst.idx.add.f32.msk $0xffff, v3  }
0x87: {  	v11 =	vor.u32 v0, v11;
	v15 =	vshll.u32 v21, $0x4;
	v22 =	vld [tilespmem:s26+$0x30];
	s26 =	smov.u32 s28;
	s28 =	smov.u32 s30;
	s30 =	smov.u32 s0  }
0x88: {  	s0 =	smov.u32 s5;
	s5 =	smov.u32 s8;
	[tilespmem:v20+s14+$0x0] =	vst.idx.add.f32.msk $0xffff, v3;
	v15 =	vor.u32 v0, v15  }
0x89: {  	v23 =	vshll.u32 v12, $0x8;
	v24 =	vshll.u32 v7, $0x8;
	v12 =	vmovc v16;
	v7 =	vmov v9;
	v20 =	vld [tilespmem:s0+$0xFFFFFFE0]  }
0x8a: {  	v18 =	vor.u32 v18, v23;
	v9 =	vshll.u32 v19, $0x4;
	v16 =	vshll.u32 v19, $0x18;
	[tilespmem:v14+s14+$0x0] =	vst.idx.add.f32.msk $0xffff, v3  }
0x8b: {  	v13 =	vor.u32 v13, v24;
	v23 =	vor.u32 v0, v9;
	v9 =	vor.u32 v16, v18;
	v25 =	vld [tilespmem:s26+$0x20]  }
0x8c: {  	[tilespmem:v11+s14+$0x0] =	vst.idx.add.f32.msk $0xffff, v3;
	v24 =	vor.u32 v8, v9;
	v9 =	vshll.u32 v22, $0x4;
	v11 =	vshll.u32 v22, $0x18;
	v8 =	vmovc v10  }
.Ltmp0:
0x8d: {  	v10 =	vmov v17;
	v16 =	vld [tilespmem:s8+$0xFFFFFFD0];
	v14 =	vor.u32 v0, v9;
	v9 =	vor.u32 v11, v13;
	(pc) =	sbr.rel @p0 .LBB2_3-.Ltmp0, $4  }
0x8e: {  	s9 =	sand.u32 $0xF80, s21;
	v13 =	vshll.u32 v20, $0x4;
	v18 =	vshll.u32 v20, $0x10;
	[tilespmem:v15+s14+$0x0] =	vst.idx.add.f32.msk $0xffff, v3;
	v11 =	vor.u32 v5, v9;
	v5 =	vmovc v6  }
0x8f: {  	s23 =	sand.u32 $0x60, s21;
	s21 =	smov.u32 s11;
	s9 =	sadd.s32 s9, s25;
	v6 =	vmov v21;
	v19 =	vor.u32 v0, v13;
	v9 =	vld [tilespmem:s28+$0x10]  }
0x90: {  	s11 =	smov.u32 s4;
	s9 =	sadd.s32 s23, s9;
	s8 =	sadd.s32 $0x80, s8;
	[tilespmem:v23+s14+$0x0] =	vst.idx.add.f32.msk $0xffff, v3;
	v15 =	vshll.u32 v25, $0x4;
	v13 =	vshll.u32 v25, $0x10  }
0x91: {  	s4 =	smov.u32 s16;
	v17 =	vld [tilespmem:s8+$0xFFFFFFC0];
	[tilespmem:s9+$0x0] =	vst v24;
	v15 =	vor.u32 v0, v15  }
0x92: {  	_ =	sdelay $0x3  }
0x93: {  	v20 =	vshll.u32 v17, $0x4  }
0x94: {  	v20 =	vor.u32 v0, v20;
	_ =	sdelay $0x4  }
0x95: {  	[tilespmem:v20+s14+$0x0] =	vst.idx.add.f32.msk $0xffff, v3  }
0x96: {  	v20 =	vld [tilespmem:s8+$0xFFFFFFD0];
	_ =	sdelay $0x1  }
0x97: {  	v21 =	vshll.u32 v16, $0x4  }
0x98: {  	v21 =	vor.u32 v0, v21;
	_ =	sdelay $0x1  }
0x99: {  	v22 =	vshll.u32 v20, $0x4  }
0x9a: {  	v22 =	vor.u32 v0, v22;
	_ =	sdelay $0x1  }
0x9b: {  	[tilespmem:v21+s14+$0x0] =	vst.idx.add.f32.msk $0xffff, v3  }
0x9c: {  	v21 =	vld [tilespmem:s5+$0xFFFFFFE0];
	_ =	sdelay $0x1  }
0x9d: {  	[tilespmem:v22+s14+$0x0] =	vst.idx.add.f32.msk $0xffff, v3  }
0x9e: {  	v22 =	vld [tilespmem:s8+$0xFFFFFFE0];
	_ =	sdelay $0x1  }
0x9f: {  	v23 =	vshll.u32 v21, $0x4  }
0xa0: {  	v23 =	vor.u32 v0, v23;
	_ =	sdelay $0x1  }
0xa1: {  	v24 =	vshll.u32 v22, $0x4  }
0xa2: {  	[tilespmem:v19+s14+$0x0] =	vst.idx.add.f32.msk $0xffff, v3;
	v19 =	vor.u32 v0, v24  }
0xa3: {  	v44 =	vld [tilespmem:s0+$0xFFFFFFF0]  }
0xa4: {  	[tilespmem:v23+s14+$0x0] =	vst.idx.add.f32.msk $0xffff, v3  }
0xa5: {  	v23 =	vld [tilespmem:s5+$0xFFFFFFF0];
	_ =	sdelay $0x1  }
0xa6: {  	[tilespmem:v19+s14+$0x0] =	vst.idx.add.f32.msk $0xffff, v3  }
0xa7: {  	v19 =	vshll.u32 v44, $0x4;
	v25 =	vld [tilespmem:s8+$0xFFFFFFF0]  }
0xa8: {  	v12 =	vshll.u32 v12, $0x8;
	v19 =	vor.u32 v0, v19  }
0xa9: {  	v12 =	vor.u32 v18, v12;
	v18 =	vshll.u32 v23, $0x4  }
0xaa: {  	v18 =	vor.u32 v0, v18;
	v24 =	vshll.u32 v44, $0x18  }
0xab: {  	s16 =	sand.u32 $0xF80, s21;
	v16 =	vshll.u32 v16, $0x8;
	v12 =	vor.u32 v24, v12  }
0xac: {  	s23 =	sand.u32 $0x60, s21;
	s16 =	sadd.s32 s16, s25;
	v8 =	vor.u32 v8, v12;
	v12 =	vshll.u32 v21, $0x10;
	v45 =	vshll.u32 v25, $0x4  }
0xad: {  	s12 =	sand.u32 $0xF80, s11;
	s21 =	sadd.s32 s23, s16;
	v12 =	vor.u32 v12, v16;
	[tilespmem:v19+s14+$0x0] =	vst.idx.add.f32.msk $0xffff, v3;
	v19 =	vshll.u32 v23, $0x18;
	v16 =	vor.u32 v0, v45  }
0xae: {  	v46 =	vld [tilespmem:s30+$0x0];
	s22 =	sand.u32 $0x60, s11;
	s16 =	sadd.s32 s12, s25;
	[tilespmem:s21+$0x0] =	vst v8;
	v8 =	vor.u32 v19, v12  }
0xaf: {  	s11 =	sadd.s32 s22, s16;
	[tilespmem:v18+s14+$0x0] =	vst.idx.add.f32.msk $0xffff, v3;
	v12 =	vshll.u32 v20, $0x8;
	v8 =	vor.u32 v10, v8;
	v10 =	vshll.u32 v22, $0x10  }
0xb0: {  	s23 =	sand.u32 $0xF80, s4;
	v18 =	vld [tilespmem:s0+$0x0];
	[tilespmem:s11+$0x0] =	vst v8;
	v8 =	vshll.u32 v25, $0x18;
	v10 =	vor.u32 v10, v12  }
0xb1: {  	s12 =	sand.u32 $0x60, s4;
	s16 =	sadd.s32 s23, s25;
	v12 =	vld [tilespmem:s5+$0x0];
	v8 =	vor.u32 v8, v10  }
0xb2: {  	s4 =	sadd.s32 s12, s16;
	v8 =	vor.u32 v17, v8;
	[tilespmem:v16+s14+$0x0] =	vst.idx.add.f32.msk $0xffff, v3  }
0xb3: {  	v10 =	vshll.u32 v46, $0x4;
	[tilespmem:s4+$0x0] =	vst v8  }
0xb4: {  	v8 =	vor.u32 v0, v10;
	v10 =	vld [tilespmem:s8+$0x0]  }
0xb5: {  	v16 =	vshll.u32 v18, $0x4  }
0xb6: {  	v16 =	vor.u32 v0, v16  }
0xb7: {  	v17 =	vshll.u32 v12, $0x4  }
0xb8: {  	v17 =	vor.u32 v0, v17  }
0xb9: {  	[tilespmem:v8+s14+$0x0] =	vst.idx.add.f32.msk $0xffff, v3;
	v8 =	vshll.u32 v10, $0x4  }
0xba: {  	v19 =	vld [tilespmem:s30+$0x10];
	v8 =	vor.u32 v0, v8  }
0xbb: {  	[tilespmem:v16+s14+$0x0] =	vst.idx.add.f32.msk $0xffff, v3  }
0xbc: {  	v16 =	vld [tilespmem:s0+$0x10]  }
0xbd: {  	v20 =	vshll.u32 v9, $0x4;
	[tilespmem:v17+s14+$0x0] =	vst.idx.add.f32.msk $0xffff, v3  }
0xbe: {  	v17 =	vor.u32 v0, v20;
	v20 =	vld [tilespmem:s5+$0x10]  }
0xbf: {  	v47 =	vshll.u32 v19, $0x4;
	[tilespmem:v8+s14+$0x0] =	vst.idx.add.f32.msk $0xffff, v3  }
0xc0: {  	v8 =	vor.u32 v0, v47;
	v48 =	vld [tilespmem:s8+$0x10]  }
0xc1: {  	v49 =	vshll.u32 v16, $0x4  }
0xc2: {  	[tilespmem:v14+s14+$0x0] =	vst.idx.add.f32.msk $0xffff, v3;
	v14 =	vor.u32 v0, v49  }
0xc3: {  	[tilespmem:v17+s14+$0x0] =	vst.idx.add.f32.msk $0xffff, v3;
	v17 =	vshll.u32 v20, $0x4  }
0xc4: {  	v50 =	vld [tilespmem:s28+$0x20];
	v17 =	vor.u32 v0, v17  }
0xc5: {  	[tilespmem:v8+s14+$0x0] =	vst.idx.add.f32.msk $0xffff, v3;
	v8 =	vshll.u32 v48, $0x4  }
0xc6: {  	v51 =	vld [tilespmem:s30+$0x20];
	v8 =	vor.u32 v0, v8  }
0xc7: {  	[tilespmem:v14+s14+$0x0] =	vst.idx.add.f32.msk $0xffff, v3  }
0xc8: {  	v14 =	vld [tilespmem:s0+$0x20]  }
0xc9: {  	v52 =	vshll.u32 v50, $0x4;
	[tilespmem:v17+s14+$0x0] =	vst.idx.add.f32.msk $0xffff, v3  }
0xca: {  	v17 =	vor.u32 v0, v52;
	v53 =	vld [tilespmem:s5+$0x20]  }
0xcb: {  	v26 =	vshll.u32 v51, $0x4;
	[tilespmem:v8+s14+$0x0] =	vst.idx.add.f32.msk $0xffff, v3  }
0xcc: {  	v8 =	vor.u32 v0, v26;
	v54 =	vld [tilespmem:s8+$0x20]  }
0xcd: {  	[tilespmem:v15+s14+$0x0] =	vst.idx.add.f32.msk $0xffff, v3;
	v15 =	vshll.u32 v14, $0x4  }
0xce: {  	v27 =	vld [tilespmem:s26+$0x30];
	v15 =	vor.u32 v0, v15  }
0xcf: {  	[tilespmem:v17+s14+$0x0] =	vst.idx.add.f32.msk $0xffff, v3;
	v17 =	vshll.u32 v53, $0x4  }
0xd0: {  	v28 =	vld [tilespmem:s28+$0x30];
	v17 =	vor.u32 v0, v17  }
0xd1: {  	[tilespmem:v8+s14+$0x0] =	vst.idx.add.f32.msk $0xffff, v3;
	v8 =	vshll.u32 v54, $0x4  }
0xd2: {  	v7 =	vshll.u32 v7, $0x8;
	v29 =	vld [tilespmem:s30+$0x30];
	v8 =	vor.u32 v0, v8  }
0xd3: {  	v7 =	vor.u32 v13, v7;
	v13 =	vshll.u32 v27, $0x4;
	[tilespmem:v15+s14+$0x0] =	vst.idx.add.f32.msk $0xffff, v3;
	v15 =	vshll.u32 v27, $0x18  }
0xd4: {  	v13 =	vor.u32 v0, v13;
	v7 =	vor.u32 v15, v7;
	v15 =	vld [tilespmem:s0+$0x30]  }
0xd5: {  	v9 =	vshll.u32 v9, $0x8;
	v23 =	vshll.u32 v50, $0x10;
	[tilespmem:v17+s14+$0x0] =	vst.idx.add.f32.msk $0xffff, v3;
	v17 =	vshll.u32 v28, $0x4  }
0xd6: {  	[tilespmem:s29+$0x10] =	vst v11;
	v11 =	vshll.u32 v19, $0x8;
	v9 =	vor.u32 v23, v9;
	v17 =	vor.u32 v0, v17;
	v56 =	vld [tilespmem:s5+$0x30]  }
0xd7: {  	v55 =	vshll.u32 v28, $0x18;
	v5 =	vor.u32 v5, v7;
	[tilespmem:v8+s14+$0x0] =	vst.idx.add.f32.msk $0xffff, v3;
	v8 =	vshll.u32 v29, $0x4  }
0xd8: {  	v7 =	vor.u32 v55, v9;
	v9 =	vshll.u32 v51, $0x10;
	v8 =	vor.u32 v0, v8;
	v19 =	vld [tilespmem:s8+$0x30]  }
0xd9: {  	[tilespmem:v13+s14+$0x0] =	vst.idx.add.f32.msk $0xffff, v3;
	v9 =	vor.u32 v9, v11;
	v11 =	vshll.u32 v29, $0x18;
	v13 =	vshll.u32 v15, $0x4  }
0xda: {  	[tilespmem:s31+$0x10] =	vst v5;
	v5 =	vor.u32 v6, v7;
	v6 =	vor.u32 v11, v9;
	v7 =	vor.u32 v0, v13  }
0xdb: {  	v9 =	vshll.u32 v14, $0x10;
	v11 =	vshll.u32 v16, $0x8;
	[tilespmem:v17+s14+$0x0] =	vst.idx.add.f32.msk $0xffff, v3;
	v13 =	vshll.u32 v56, $0x4  }
0xdc: {  	[tilespmem:s1+$0x10] =	vst v5;
	v5 =	vor.u32 v9, v11;
	v9 =	vshll.u32 v15, $0x18;
	v11 =	vor.u32 v0, v13  }
0xdd: {  	v6 =	vor.u32 v46, v6;
	v5 =	vor.u32 v9, v5;
	[tilespmem:v8+s14+$0x0] =	vst.idx.add.f32.msk $0xffff, v3;
	v8 =	vshll.u32 v19, $0x4  }
0xde: {  	v9 =	vshll.u32 v20, $0x8;
	[tilespmem:s9+$0x10] =	vst v6;
	v6 =	vshll.u32 v53, $0x10;
	v8 =	vor.u32 v0, v8  }
0xdf: {  	v5 =	vor.u32 v18, v5;
	[tilespmem:v7+s14+$0x0] =	vst.idx.add.f32.msk $0xffff, v3;
	v7 =	vshll.u32 v56, $0x18;
	v6 =	vor.u32 v6, v9  }
0xe0: {  	[tilespmem:s21+$0x10] =	vst v5;
	v5 =	vor.u32 v7, v6;
	v6 =	vshll.u32 v54, $0x10;
	v7 =	vshll.u32 v48, $0x8  }
0xe1: {  	p0 =	seq.s32 s24, $0x3;
	s26 =	sshll.u32 s24, $0x8;
	[tilespmem:v11+s14+$0x0] =	vst.idx.add.f32.msk $0xffff, v3;
	v5 =	vor.u32 v12, v5;
	v6 =	vor.u32 v6, v7;
	v7 =	vshll.u32 v19, $0x18  }
0xe2: {  	s0 =	sadd.s32 @!p0 s26, s6;
	[tilespmem:s11+$0x10] =	vst v5;
	v5 =	vor.u32 v7, v6  }
0xe3: {  	s0 =	sshll.u32 @!p0 s0, $0x4;
	v5 =	vor.u32 v10, v5;
	[tilespmem:v8+s14+$0x0] =	vst.idx.add.f32.msk $0xffff, v3  }
0xe4: {  	s0 =	sadd.s32 @!p0 s2, s0;
	s1 =	simm.s32 @!p0 $0x0;
	[tilespmem:s4+$0x10] =	vst v5  }
0xe5: {  	[tilespmem:s1], [sflag:$0x1] =	stream.linear.gather @!p0 [hbm4b:s0+s1], $0x4000, $0x38;
	[tilespmem:$0x18680] =	vst v63  }
0xe6: {  	_ =	swait.ge [sflag:s15], $0x4000  }
0xe7: {  	[sflag:s15] =	ssyncset.done $0x0  }
0xe8: {  	s21 =	simm.s32 $0x4040;
	[sflag:s15] =	ssyncadd.s32 $0xFFFFC000  }
0xe9: {  	v5 =	vld [tilespmem:s21+$0xFFFFFFC0];
	_ =	sdelay $0x4  }
0xea: {  	v6 =	vshll.u32 v5, $0x4  }
0xeb: {  	v6 =	vor.u32 v0, v6;
	_ =	sdelay $0x4  }
0xec: {  	[tilespmem:v6+s14+$0x0] =	vst.idx.add.f32.msk $0xffff, v3  }
0xed: {  	v6 =	vld [tilespmem:s21+$0xFFFFFFD0];
	_ =	sdelay $0x3  }
0xee: {  	s28 =	simm.s32 $0x40C0  }
0xef: {  	v7 =	vld [tilespmem:s28+$0xFFFFFFC0];
	v8 =	vshll.u32 v6, $0x4  }
0xf0: {  	v8 =	vor.u32 v0, v8;
	_ =	sdelay $0x3  }
0xf1: {  	v9 =	vshll.u32 v7, $0x4  }
0xf2: {  	v9 =	vor.u32 v0, v9;
	[tilespmem:v8+s14+$0x0] =	vst.idx.add.f32.msk $0xffff, v3  }
0xf3: {  	v8 =	vld [tilespmem:s21+$0xFFFFFFE0];
	_ =	sdelay $0x3  }
0xf4: {  	[tilespmem:v9+s14+$0x0] =	vst.idx.add.f32.msk $0xffff, v3  }
0xf5: {  	v9 =	vld [tilespmem:s28+$0xFFFFFFD0];
	v10 =	vshll.u32 v8, $0x4  }
0xf6: {  	v10 =	vor.u32 v0, v10;
	_ =	sdelay $0x1  }
0xf7: {  	s29 =	simm.s32 $0x4140  }
0xf8: {  	v11 =	vld [tilespmem:s29+$0xFFFFFFC0]  }
0xf9: {  	v12 =	vshll.u32 v9, $0x4  }
0xfa: {  	v12 =	vor.u32 v0, v12;
	[tilespmem:v10+s14+$0x0] =	vst.idx.add.f32.msk $0xffff, v3  }
0xfb: {  	v10 =	vld [tilespmem:s21+$0xFFFFFFF0];
	_ =	sdelay $0x1  }
0xfc: {  	v13 =	vshll.u32 v11, $0x4  }
0xfd: {  	v13 =	vor.u32 v0, v13  }
0xfe: {  	[tilespmem:v12+s14+$0x0] =	vst.idx.add.f32.msk $0xffff, v3  }
0xff: {  	v12 =	vld [tilespmem:s28+$0xFFFFFFE0];
	v14 =	vshll.u32 v10, $0x4  }
0x100: {  	v14 =	vor.u32 v0, v14;
	_ =	sdelay $0x1  }
0x101: {  	[tilespmem:v13+s14+$0x0] =	vst.idx.add.f32.msk $0xffff, v3  }
0x102: {  	s22 =	simm.s32 $0x0;
	v13 =	vld [tilespmem:s29+$0xFFFFFFD0];
	v6 =	vshll.u32 v6, $0x8;
	v8 =	vshll.u32 v8, $0x10  }
0x103: {  	s23 =	sand.u32 $0xF80, s22;
	v15 =	vshll.u32 v12, $0x4;
	v6 =	vor.u32 v8, v6;
	v10 =	vshll.u32 v10, $0x18  }
0x104: {  	s31 =	simm.s32 $0x41C0;
	s0 =	sand.u32 $0x60, s22;
	s1 =	sadd.s32 s23, s25;
	v8 =	vor.u32 v0, v15;
	v6 =	vor.u32 v10, v6;
	[tilespmem:v14+s14+$0x0] =	vst.idx.add.f32.msk $0xffff, v3  }
0x105: {  	s30 =	sadd.s32 s0, s1;
	v5 =	vor.u32 v5, v6;
	v14 =	vld [tilespmem:s31+$0xFFFFFFC0]  }
0x106: {  	[tilespmem:s30+$0x1000] =	vst v5  }
0x107: {  	v5 =	vshll.u32 v13, $0x4;
	v15 =	vld [tilespmem:s21+$0x0]  }
0x108: {  	v5 =	vor.u32 v0, v5  }
0x109: {  	[tilespmem:v8+s14+$0x0] =	vst.idx.add.f32.msk $0xffff, v3  }
0x10a: {  	v6 =	vld [tilespmem:s28+$0xFFFFFFF0];
	v8 =	vshll.u32 v14, $0x4  }
0x10b: {  	v8 =	vor.u32 v0, v8  }
0x10c: {  	v10 =	vshll.u32 v15, $0x4  }
0x10d: {  	[tilespmem:v5+s14+$0x0] =	vst.idx.add.f32.msk $0xffff, v3;
	v5 =	vor.u32 v0, v10;
	_ =	sdelay $0x1  }
0x10e: {  	v16 =	vshll.u32 v6, $0x4;
	v10 =	vld [tilespmem:s29+$0xFFFFFFE0]  }
0x10f: {  	v16 =	vor.u32 v0, v16;
	[tilespmem:v8+s14+$0x0] =	vst.idx.add.f32.msk $0xffff, v3  }
0x110: {  	v17 =	vld [tilespmem:s31+$0xFFFFFFD0]  }
0x111: {  	s5 =	simm.s32 $0x20;
	s1 =	simm.s32 $0x4240;
	v9 =	vshll.u32 v9, $0x8;
	v8 =	vshll.u32 v12, $0x10;
	[tilespmem:v5+s14+$0x0] =	vst.idx.add.f32.msk $0xffff, v3  }
0x112: {  	s8 =	sand.u32 $0xF80, s5;
	v5 =	vshll.u32 v6, $0x18;
	v6 =	vor.u32 v8, v9;
	v8 =	vld [tilespmem:s1+$0xFFFFFFC0]  }
0x113: {  	s9 =	sadd.s32 s8, s25;
	s0 =	sand.u32 $0x60, s5;
	v12 =	vshll.u32 v10, $0x4;
	v18 =	vld [tilespmem:s21+$0x10];
	v5 =	vor.u32 v5, v6  }
0x114: {  	s0 =	sadd.s32 s0, s9;
	[tilespmem:v16+s14+$0x0] =	vst.idx.add.f32.msk $0xffff, v3;
	v9 =	vor.u32 v0, v12;
	v5 =	vor.u32 v7, v5  }
0x115: {  	[tilespmem:s0+$0x1000] =	vst v5;
	v6 =	vshll.u32 v17, $0x4  }
0x116: {  	v5 =	vld [tilespmem:s28+$0x0];
	v6 =	vor.u32 v0, v6  }
0x117: {  	v12 =	vshll.u32 v8, $0x4  }
0x118: {  	v7 =	vshll.u32 v18, $0x4;
	v12 =	vor.u32 v0, v12  }
0x119: {  	[tilespmem:v9+s14+$0x0] =	vst.idx.add.f32.msk $0xffff, v3;
	v7 =	vor.u32 v0, v7  }
0x11a: {  	v9 =	vld [tilespmem:s29+$0xFFFFFFF0]  }
0x11b: {  	v16 =	vshll.u32 v5, $0x4;
	[tilespmem:v6+s14+$0x0] =	vst.idx.add.f32.msk $0xffff, v3  }
0x11c: {  	v6 =	vor.u32 v0, v16;
	v16 =	vld [tilespmem:s31+$0xFFFFFFE0]  }
0x11d: {  	[tilespmem:v12+s14+$0x0] =	vst.idx.add.f32.msk $0xffff, v3  }
0x11e: {  	[tilespmem:v7+s14+$0x0] =	vst.idx.add.f32.msk $0xffff, v3  }
0x11f: {  	v19 =	vshll.u32 v9, $0x4;
	v12 =	vld [tilespmem:s1+$0xFFFFFFD0]  }
0x120: {  	v19 =	vor.u32 v0, v19;
	v20 =	vld [tilespmem:s21+$0x20]  }
0x121: {  	v7 =	vshll.u32 v10, $0x10;
	v10 =	vshll.u32 v13, $0x8  }
0x122: {  	s11 =	simm.s32 $0x40;
	[tilespmem:v6+s14+$0x0] =	vst.idx.add.f32.msk $0xffff, v3;
	v6 =	vshll.u32 v9, $0x18;
	v9 =	vor.u32 v7, v10;
	v13 =	vshll.u32 v16, $0x4  }
0x123: {  	s8 =	simm.s32 $0x42C0;
	s12 =	sand.u32 $0xF80, s11;
	v7 =	vld [tilespmem:s28+$0x10];
	v6 =	vor.u32 v6, v9;
	v13 =	vor.u32 v0, v13  }
0x124: {  	s16 =	sadd.s32 s12, s25;
	s5 =	sand.u32 $0x60, s11;
	v10 =	vld [tilespmem:s8+$0xFFFFFFC0];
	v6 =	vor.u32 v11, v6;
	v11 =	vshll.u32 v12, $0x4  }
0x125: {  	s5 =	sadd.s32 s5, s16;
	[tilespmem:v19+s14+$0x0] =	vst.idx.add.f32.msk $0xffff, v3;
	v9 =	vshll.u32 v20, $0x4;
	v11 =	vor.u32 v0, v11  }
0x126: {  	v9 =	vor.u32 v0, v9;
	[tilespmem:s5+$0x1000] =	vst v6  }
0x127: {  	v6 =	vld [tilespmem:s29+$0x0]  }
0x128: {  	[tilespmem:v13+s14+$0x0] =	vst.idx.add.f32.msk $0xffff, v3;
	v13 =	vshll.u32 v7, $0x4  }
0x129: {  	v19 =	vld [tilespmem:s31+$0xFFFFFFF0];
	v13 =	vor.u32 v0, v13  }
0x12a: {  	v57 =	vshll.u32 v10, $0x4;
	[tilespmem:v11+s14+$0x0] =	vst.idx.add.f32.msk $0xffff, v3  }
0x12b: {  	[tilespmem:v9+s14+$0x0] =	vst.idx.add.f32.msk $0xffff, v3;
	v9 =	vor.u32 v0, v57  }
0x12c: {  	v58 =	vld [tilespmem:s21+$0x30];
	v59 =	vshll.u32 v6, $0x4  }
0x12d: {  	v17 =	vshll.u32 v17, $0x8;
	v16 =	vshll.u32 v16, $0x10;
	v60 =	vld [tilespmem:s1+$0xFFFFFFE0];
	v11 =	vor.u32 v0, v59  }
0x12e: {  	v18 =	vshll.u32 v18, $0x8;
	v16 =	vor.u32 v16, v17;
	v61 =	vshll.u32 v19, $0x4;
	[tilespmem:v13+s14+$0x0] =	vst.idx.add.f32.msk $0xffff, v3  }
0x12f: {  	v13 =	vshll.u32 v20, $0x10;
	v19 =	vshll.u32 v19, $0x18;
	v20 =	vor.u32 v0, v61;
	v62 =	vld [tilespmem:s28+$0x20]  }
0x130: {  	[tilespmem:v9+s14+$0x0] =	vst.idx.add.f32.msk $0xffff, v3;
	v9 =	vor.u32 v19, v16;
	v13 =	vor.u32 v13, v18  }
0x131: {  	s21 =	simm.s32 $0x60;
	v16 =	vld [tilespmem:s8+$0xFFFFFFD0];
	v63 =	vor.u32 v14, v9;
	v9 =	vshll.u32 v58, $0x4;
	v17 =	vshll.u32 v58, $0x18  }
0x132: {  	s22 =	sand.u32 $0xF80, s21;
	[tilespmem:v11+s14+$0x0] =	vst.idx.add.f32.msk $0xffff, v3;
	v14 =	vor.u32 v0, v9;
	v11 =	vor.u32 v17, v13;
	v13 =	vshll.u32 v60, $0x4  }
0x133: {  	s4 =	sand.u32 $0x60, s21;
	s23 =	sadd.s32 s22, s25;
	v9 =	vld [tilespmem:s29+$0x10];
	v19 =	vor.u32 v0, v13  }
0x134: {  	s9 =	simm.s32 $0x4340;
	s16 =	simm.s32 $0xE0;
	s11 =	sadd.s32 s4, s23;
	v11 =	vor.u32 v15, v11;
	[tilespmem:v20+s14+$0x0] =	vst.idx.add.f32.msk $0xffff, v3;
	v15 =	vshll.u32 v62, $0x4  }
0x135: {  	s21 =	simm.s32 $0xA0;
	s22 =	simm.s32 $0x80;
	s4 =	simm.s32 $0xC0;
	v18 =	vshll.u32 v60, $0x10;
	v17 =	vld [tilespmem:s9+$0xFFFFFFC0];
	v13 =	vshll.u32 v62, $0x10;
	[tilespmem:s11+$0x1000] =	vst v63;
	v15 =	vor.u32 v0, v15  }
.LBB2_5:
0x136: {  	p1 =	sne.s32 s16, $0xFE0;
	v20 =	vshll.u32 v16, $0x4;
	v21 =	vld [tilespmem:s31+$0x0];
	s23 =	smov.u32 s16;
	s16 =	sadd.s32 $0x20, s16  }
0x137: {  	v20 =	vor.u32 v0, v20;
	[tilespmem:v14+s14+$0x0] =	vst.idx.add.f32.msk $0xffff, v3  }
0x138: {  	[tilespmem:v19+s14+$0x0] =	vst.idx.add.f32.msk $0xffff, v3;
	v14 =	vshll.u32 v9, $0x4  }
0x139: {  	v19 =	vld [tilespmem:s1+$0xFFFFFFF0];
	v14 =	vor.u32 v0, v14;
	[tilespmem:s30+$0x1010] =	vst v11;
	s30 =	smov.u32 s0;
	s0 =	smov.u32 s5;
	s5 =	smov.u32 s11  }
0x13a: {  	v11 =	vshll.u32 v17, $0x4;
	[tilespmem:v15+s14+$0x0] =	vst.idx.add.f32.msk $0xffff, v3  }
0x13b: {  	v11 =	vor.u32 v0, v11;
	v15 =	vshll.u32 v21, $0x4;
	v22 =	vld [tilespmem:s28+$0x30];
	s28 =	smov.u32 s29;
	s29 =	smov.u32 s31;
	s31 =	smov.u32 s1  }
0x13c: {  	s1 =	smov.u32 s8;
	s8 =	smov.u32 s9;
	[tilespmem:v20+s14+$0x0] =	vst.idx.add.f32.msk $0xffff, v3;
	v15 =	vor.u32 v0, v15  }
0x13d: {  	v23 =	vshll.u32 v12, $0x8;
	v24 =	vshll.u32 v7, $0x8;
	v12 =	vmovc v16;
	v7 =	vmov v9;
	v20 =	vld [tilespmem:s1+$0xFFFFFFE0]  }
0x13e: {  	v18 =	vor.u32 v18, v23;
	v9 =	vshll.u32 v19, $0x4;
	v16 =	vshll.u32 v19, $0x18;
	[tilespmem:v14+s14+$0x0] =	vst.idx.add.f32.msk $0xffff, v3  }
0x13f: {  	v13 =	vor.u32 v13, v24;
	v23 =	vor.u32 v0, v9;
	v9 =	vor.u32 v16, v18;
	v25 =	vld [tilespmem:s28+$0x20]  }
0x140: {  	[tilespmem:v11+s14+$0x0] =	vst.idx.add.f32.msk $0xffff, v3;
	v24 =	vor.u32 v8, v9;
	v9 =	vshll.u32 v22, $0x4;
	v11 =	vshll.u32 v22, $0x18;
	v8 =	vmovc v10  }
.Ltmp1:
0x141: {  	v10 =	vmov v17;
	v16 =	vld [tilespmem:s9+$0xFFFFFFD0];
	v14 =	vor.u32 v0, v9;
	v9 =	vor.u32 v11, v13;
	(pc) =	sbr.rel @p1 .LBB2_5-.Ltmp1, $4  }
0x142: {  	s11 =	sand.u32 $0xF80, s22;
	v13 =	vshll.u32 v20, $0x4;
	v18 =	vshll.u32 v20, $0x10;
	[tilespmem:v15+s14+$0x0] =	vst.idx.add.f32.msk $0xffff, v3;
	v11 =	vor.u32 v5, v9;
	v5 =	vmovc v6  }
0x143: {  	s12 =	sand.u32 $0x60, s22;
	s22 =	smov.u32 s21;
	s11 =	sadd.s32 s11, s25;
	v6 =	vmov v21;
	v19 =	vor.u32 v0, v13;
	v9 =	vld [tilespmem:s29+$0x10]  }
0x144: {  	s21 =	smov.u32 s4;
	s11 =	sadd.s32 s12, s11;
	s9 =	sadd.s32 $0x80, s9;
	[tilespmem:v23+s14+$0x0] =	vst.idx.add.f32.msk $0xffff, v3;
	v15 =	vshll.u32 v25, $0x4;
	v13 =	vshll.u32 v25, $0x10  }
0x145: {  	s4 =	smov.u32 s23;
	v17 =	vld [tilespmem:s9+$0xFFFFFFC0];
	[tilespmem:s11+$0x1000] =	vst v24;
	v15 =	vor.u32 v0, v15  }
0x146: {  	_ =	sdelay $0x3  }
0x147: {  	v20 =	vshll.u32 v17, $0x4  }
0x148: {  	v20 =	vor.u32 v0, v20;
	_ =	sdelay $0x4  }
0x149: {  	[tilespmem:v20+s14+$0x0] =	vst.idx.add.f32.msk $0xffff, v3  }
0x14a: {  	v20 =	vld [tilespmem:s9+$0xFFFFFFD0]  }
0x14b: {  	v21 =	vshll.u32 v16, $0x4  }
0x14c: {  	v21 =	vor.u32 v0, v21;
	_ =	sdelay $0x2  }
0x14d: {  	v22 =	vshll.u32 v20, $0x4  }
0x14e: {  	v22 =	vor.u32 v0, v22  }
0x14f: {  	[tilespmem:v21+s14+$0x0] =	vst.idx.add.f32.msk $0xffff, v3  }
0x150: {  	v21 =	vld [tilespmem:s8+$0xFFFFFFE0];
	_ =	sdelay $0x2  }
0x151: {  	[tilespmem:v22+s14+$0x0] =	vst.idx.add.f32.msk $0xffff, v3  }
0x152: {  	v22 =	vld [tilespmem:s9+$0xFFFFFFE0]  }
0x153: {  	v23 =	vshll.u32 v21, $0x4  }
0x154: {  	v23 =	vor.u32 v0, v23;
	_ =	sdelay $0x2  }
0x155: {  	[tilespmem:v19+s14+$0x0] =	vst.idx.add.f32.msk $0xffff, v3;
	v24 =	vshll.u32 v22, $0x4  }
0x156: {  	v43 =	vld [tilespmem:s1+$0xFFFFFFF0];
	v42 =	vor.u32 v0, v24  }
0x157: {  	[tilespmem:v23+s14+$0x0] =	vst.idx.add.f32.msk $0xffff, v3  }
0x158: {  	v23 =	vld [tilespmem:s8+$0xFFFFFFF0];
	_ =	sdelay $0x2  }
0x159: {  	v44 =	vshll.u32 v43, $0x4;
	[tilespmem:v42+s14+$0x0] =	vst.idx.add.f32.msk $0xffff, v3  }
0x15a: {  	v19 =	vor.u32 v0, v44;
	v25 =	vld [tilespmem:s9+$0xFFFFFFF0]  }
0x15b: {  	v12 =	vshll.u32 v12, $0x8;
	v45 =	vshll.u32 v23, $0x4  }
0x15c: {  	v12 =	vor.u32 v18, v12;
	v18 =	vor.u32 v0, v45;
	_ =	sdelay $0x1  }
0x15d: {  	s12 =	sand.u32 $0xF80, s22;
	v47 =	vshll.u32 v16, $0x8;
	v46 =	vshll.u32 v21, $0x10;
	v24 =	vshll.u32 v43, $0x18  }
0x15e: {  	s16 =	sand.u32 $0x60, s22;
	s12 =	sadd.s32 s12, s25;
	[tilespmem:v19+s14+$0x0] =	vst.idx.add.f32.msk $0xffff, v3;
	v49 =	vshll.u32 v23, $0x18;
	v12 =	vor.u32 v24, v12;
	v48 =	vshll.u32 v25, $0x4  }
0x15f: {  	s22 =	sadd.s32 s16, s12;
	s16 =	sand.u32 $0xF80, s21;
	v21 =	vld [tilespmem:s31+$0x0];
	v8 =	vor.u32 v8, v12;
	v12 =	vor.u32 v46, v47;
	v50 =	vor.u32 v0, v48  }
0x160: {  	s21 =	sand.u32 $0x60, s21;
	s12 =	sadd.s32 s16, s25;
	[tilespmem:v18+s14+$0x0] =	vst.idx.add.f32.msk $0xffff, v3;
	v51 =	vor.u32 v49, v12  }
0x161: {  	s21 =	sadd.s32 s21, s12;
	v53 =	vshll.u32 v20, $0x8;
	v52 =	vshll.u32 v22, $0x10;
	[tilespmem:s22+$0x1000] =	vst v8;
	v8 =	vor.u32 v10, v51  }
0x162: {  	s23 =	sand.u32 $0xF80, s4;
	v18 =	vld [tilespmem:s1+$0x0];
	v10 =	vor.u32 v52, v53;
	[tilespmem:s21+$0x1000] =	vst v8;
	v54 =	vshll.u32 v25, $0x18  }
0x163: {  	s12 =	sadd.s32 s23, s25;
	s25 =	sand.u32 $0x60, s4;
	v12 =	vld [tilespmem:s8+$0x0];
	v8 =	vor.u32 v54, v10  }
0x164: {  	s4 =	sadd.s32 s25, s12;
	v8 =	vor.u32 v17, v8;
	[tilespmem:v50+s14+$0x0] =	vst.idx.add.f32.msk $0xffff, v3  }
0x165: {  	v55 =	vshll.u32 v21, $0x4;
	[tilespmem:s4+$0x1000] =	vst v8  }
0x166: {  	v56 =	vor.u32 v0, v55;
	v10 =	vld [tilespmem:s9+$0x0]  }
0x167: {  	v57 =	vshll.u32 v18, $0x4  }
0x168: {  	v16 =	vor.u32 v0, v57  }
0x169: {  	v58 =	vshll.u32 v12, $0x4  }
0x16a: {  	[tilespmem:v14+s14+$0x0] =	vst.idx.add.f32.msk $0xffff, v3;
	v17 =	vor.u32 v0, v58  }
0x16b: {  	[tilespmem:v56+s14+$0x0] =	vst.idx.add.f32.msk $0xffff, v3;
	v59 =	vshll.u32 v10, $0x4  }
0x16c: {  	v60 =	vld [tilespmem:s31+$0x10];
	v8 =	vor.u32 v0, v59  }
0x16d: {  	[tilespmem:v16+s14+$0x0] =	vst.idx.add.f32.msk $0xffff, v3  }
0x16e: {  	v16 =	vld [tilespmem:s1+$0x10]  }
0x16f: {  	v61 =	vshll.u32 v9, $0x4;
	[tilespmem:v17+s14+$0x0] =	vst.idx.add.f32.msk $0xffff, v3  }
0x170: {  	v62 =	vor.u32 v0, v61;
	v63 =	vld [tilespmem:s8+$0x10]  }
0x171: {  	v28 =	vshll.u32 v60, $0x4;
	[tilespmem:v8+s14+$0x0] =	vst.idx.add.f32.msk $0xffff, v3  }
0x172: {  	v29 =	vor.u32 v0, v28;
	v22 =	vld [tilespmem:s9+$0x10]  }
0x173: {  	[tilespmem:v15+s14+$0x0] =	vst.idx.add.f32.msk $0xffff, v3;
	v30 =	vshll.u32 v16, $0x4  }
0x174: {  	v27 =	vld [tilespmem:s28+$0x30];
	v31 =	vor.u32 v0, v30  }
0x175: {  	[tilespmem:v62+s14+$0x0] =	vst.idx.add.f32.msk $0xffff, v3;
	v32 =	vshll.u32 v63, $0x4  }
0x176: {  	v33 =	vld [tilespmem:s29+$0x20];
	v17 =	vor.u32 v0, v32  }
0x177: {  	[tilespmem:v29+s14+$0x0] =	vst.idx.add.f32.msk $0xffff, v3;
	v34 =	vshll.u32 v22, $0x4  }
0x178: {  	v35 =	vld [tilespmem:s31+$0x20];
	v8 =	vor.u32 v0, v34  }
0x179: {  	[tilespmem:v31+s14+$0x0] =	vst.idx.add.f32.msk $0xffff, v3  }
0x17a: {  	v7 =	vshll.u32 v7, $0x8;
	v44 =	vshll.u32 v27, $0x4;
	v14 =	vld [tilespmem:s1+$0x20]  }
0x17b: {  	v7 =	vor.u32 v13, v7;
	v13 =	vor.u32 v0, v44;
	v36 =	vshll.u32 v33, $0x4;
	[tilespmem:v17+s14+$0x0] =	vst.idx.add.f32.msk $0xffff, v3  }
0x17c: {  	v37 =	vor.u32 v0, v36;
	v38 =	vld [tilespmem:s8+$0x20]  }
0x17d: {  	v26 =	vshll.u32 v35, $0x4;
	[tilespmem:v8+s14+$0x0] =	vst.idx.add.f32.msk $0xffff, v3  }
0x17e: {  	v39 =	vor.u32 v0, v26;
	v40 =	vld [tilespmem:s9+$0x20]  }
0x17f: {  	v41 =	vshll.u32 v14, $0x4  }
0x180: {  	[tilespmem:v13+s14+$0x0] =	vst.idx.add.f32.msk $0xffff, v3;
	v15 =	vor.u32 v0, v41  }
0x181: {  	[tilespmem:v37+s14+$0x0] =	vst.idx.add.f32.msk $0xffff, v3;
	v42 =	vshll.u32 v38, $0x4  }
0x182: {  	v28 =	vld [tilespmem:s29+$0x30];
	v17 =	vor.u32 v0, v42  }
0x183: {  	[tilespmem:v39+s14+$0x0] =	vst.idx.add.f32.msk $0xffff, v3;
	v43 =	vshll.u32 v40, $0x4  }
0x184: {  	v29 =	vld [tilespmem:s31+$0x30];
	v8 =	vor.u32 v0, v43  }
0x185: {  	[tilespmem:v15+s14+$0x0] =	vst.idx.add.f32.msk $0xffff, v3  }
0x186: {  	v23 =	vshll.u32 v33, $0x10;
	v45 =	vshll.u32 v27, $0x18;
	v46 =	vld [tilespmem:s1+$0x30]  }
0x187: {  	v7 =	vor.u32 v45, v7;
	v47 =	vshll.u32 v9, $0x8;
	v48 =	vshll.u32 v28, $0x4;
	[tilespmem:v17+s14+$0x0] =	vst.idx.add.f32.msk $0xffff, v3  }
0x188: {  	v5 =	vor.u32 v5, v7;
	v9 =	vor.u32 v23, v47;
	v17 =	vor.u32 v0, v48;
	v50 =	vld [tilespmem:s8+$0x30]  }
0x189: {  	v53 =	vshll.u32 v60, $0x8;
	v49 =	vshll.u32 v28, $0x18;
	v51 =	vshll.u32 v29, $0x4;
	[tilespmem:v8+s14+$0x0] =	vst.idx.add.f32.msk $0xffff, v3  }
0x18a: {  	v7 =	vor.u32 v49, v9;
	v52 =	vshll.u32 v35, $0x10;
	v8 =	vor.u32 v0, v51;
	v54 =	vld [tilespmem:s9+$0x30]  }
0x18b: {  	[tilespmem:s0+$0x1010] =	vst v5;
	v5 =	vor.u32 v6, v7;
	v9 =	vor.u32 v52, v53;
	v56 =	vshll.u32 v46, $0x4  }
0x18c: {  	[tilespmem:s30+$0x1010] =	vst v11;
	v58 =	vshll.u32 v16, $0x8;
	v55 =	vshll.u32 v29, $0x18;
	v7 =	vor.u32 v0, v56  }
0x18d: {  	v63 =	vshll.u32 v63, $0x8;
	v6 =	vor.u32 v55, v9;
	[tilespmem:v17+s14+$0x0] =	vst.idx.add.f32.msk $0xffff, v3;
	v59 =	vshll.u32 v50, $0x4  }
0x18e: {  	v6 =	vor.u32 v21, v6;
	v57 =	vshll.u32 v14, $0x10;
	[tilespmem:s5+$0x1010] =	vst v5;
	v61 =	vor.u32 v0, v59  }
0x18f: {  	v60 =	vshll.u32 v46, $0x18;
	v5 =	vor.u32 v57, v58;
	[tilespmem:v8+s14+$0x0] =	vst.idx.add.f32.msk $0xffff, v3;
	v62 =	vshll.u32 v54, $0x4  }
0x190: {  	v5 =	vor.u32 v60, v5;
	[tilespmem:s11+$0x1010] =	vst v6;
	v6 =	vshll.u32 v38, $0x10;
	v8 =	vor.u32 v0, v62  }
0x191: {  	v5 =	vor.u32 v18, v5;
	[tilespmem:v7+s14+$0x0] =	vst.idx.add.f32.msk $0xffff, v3;
	v7 =	vshll.u32 v50, $0x18;
	v6 =	vor.u32 v6, v63  }
.Ltmp2:
0x192: {  	[tilespmem:s22+$0x1010] =	vst v5;
	v5 =	vor.u32 v7, v6;
	v6 =	vshll.u32 v40, $0x10;
	v7 =	vshll.u32 v22, $0x8;
	(pc) =	sbr.rel @p0 .LBB2_8-.Ltmp2, $4  }
0x193: {  	[tilespmem:v61+s14+$0x0] =	vst.idx.add.f32.msk $0xffff, v3;
	v5 =	vor.u32 v12, v5;
	v6 =	vor.u32 v6, v7;
	v7 =	vshll.u32 v54, $0x18  }
0x194: {  	[tilespmem:s21+$0x1010] =	vst v5;
	v5 =	vor.u32 v7, v6  }
0x195: {  	v5 =	vor.u32 v10, v5;
	[tilespmem:v8+s14+$0x0] =	vst.idx.add.f32.msk $0xffff, v3  }
0x196: {  	[tilespmem:s4+$0x1010] =	vst v5  }
.Ltmp3:
0x197: {  	(pc) =	sbr.rel .LBB2_2-.Ltmp3, $4  }
0x198: {  	s0 =	sadd.s32 s26, s7  }
0x199: {  	s0 =	sshll.u32 s0, $0x4  }
0x19a: {  	s1 =	simm.s32 $0x4000;
	s24 =	sadd.s32 $0x1, s24;
	s0 =	sadd.s32 s2, s0  }
0x19b: {  	[tilespmem:s1], [sflag:$0x2] =	stream.linear.gather [hbm4b:s0+s3], $0x4000, $0x38;
	[tilespmem:$0x18680] =	vst v63  }
.LBB2_8:
0x19c: {  	s0 =	rddreg [dreg:$0x6];
	s4 =	simm.s32 $0x5  }
0x19d: {  	[spmem:s0] =	stream.linear.scatter [tilespmem:s14], [sflag:$0x5], $0x200, $0x38;
	[tilespmem:$0x18680] =	vst v63  }
0x19e: {  	_ =	swait.ge [sflag:s4], $0x200  }
0x19f: {  	[sflag:s4] =	ssyncset.done $0x0  }
0x1a0: {  	[sflag:s4] =	ssyncadd.s32 $0xFFFFFE00  }
0x1a1: {  	s30 =	simm.s32 $0x0;
	[bflag:$0x0] =	sbarrier.arrive $0xFFFF  }
0x1a2: {  	v6 =	vor.u32 s30, v4;
	s1 =	rddreg [dreg:$0x7]  }
0x1a3: {  	v7 =	vor.u32 s30, v1;
	[tilespmem:s17], [sflag:$0x5] =	stream.linear.gather [spmem:s1], $0x200, $0x38;
	[tilespmem:$0x18680] =	vst v63  }
0x1a4: {  	_ =	swait.ge [sflag:s4], $0x200  }
0x1a5: {  	[sflag:s4] =	ssyncset.done $0x0  }
0x1a6: {  	s31 =	simm.s32 $0x1;
	[sflag:s4] =	ssyncadd.s32 $0xFFFFFE00  }
0x1a7: {  	v5 =	vor.u32 s31, v4;
	v12 =	vld.idx.msk [tilespmem:v6+s14+$0x0], $0xffff  }
0x1a8: {  	v10 =	vor.u32 s31, v1;
	v9 =	vld.idx.msk [tilespmem:v7+s14+$0x0], $0xffff  }
0x1a9: {  	v6 =	vld.idx.msk [tilespmem:v6+s17+$0x0], $0xffff  }
0x1aa: {  	v11 =	vmov v10;
	v7 =	vld.idx.msk [tilespmem:v7+s17+$0x0], $0xffff;
	_ =	sdelay $0x1  }
0x1ab: {  	v13 =	vimm.f32 $0.0e+00;
	v14 =	vimm.f32 $0.0e+00;
	s0 =	simm.s32 $0x2;
	v8 =	vld.idx.msk [tilespmem:v5+s14+$0x0], $0xffff  }
.LBB2_9:
0x1ac: {  	v15 =	vor.u32 s0, v4;
	v13 =	vadd.f32 v9, v13;
	v9 =	vld.idx.msk [tilespmem:v10+s14+$0x0], $0xffff;
	v12 =	vadd.f32 v12, v14;
	p0 =	sne.s32 s0, $0xF  }
.Ltmp4:
0x1ad: {  	v10 =	vor.u32 s0, v1;
	s0 =	sadd.s32 $0x1, s0;
	v14 =	vmov v6;
	v6 =	vld.idx.msk [tilespmem:v5+s17+$0x0], $0xffff;
	v5 =	vmov v15;
	(pc) =	sbr.rel @p0 .LBB2_9-.Ltmp4, $2  }
0x1ae: {  	v13 =	vadd.f32 v7, v13;
	v7 =	vld.idx.msk [tilespmem:v11+s17+$0x0], $0xffff;
	v14 =	vadd.f32 v14, v12;
	v11 =	vmov v10;
	_ =	sdelay $0x2  }
0x1af: {  	v12 =	vmov v8;
	v8 =	vld.idx.msk [tilespmem:v15+s14+$0x0], $0xffff  }
0x1b0: {  	_ =	sdelay $0x3  }
0x1b1: {  	v10 =	vld.idx.msk [tilespmem:v10+s14+$0x0], $0xffff  }
0x1b2: {  	v9 =	vadd.f32 v9, v13  }
0x1b3: {  	v12 =	vadd.f32 v12, v14;
	v11 =	vld.idx.msk [tilespmem:v11+s17+$0x0], $0xffff  }
0x1b4: {  	v5 =	vld.idx.msk [tilespmem:v5+s17+$0x0], $0xffff;
	v7 =	vadd.f32 v7, v9  }
0x1b5: {  	v6 =	vadd.f32 v6, v12  }
0x1b6: {  	v7 =	vadd.f32 v10, v7  }
0x1b7: {  	v6 =	vadd.f32 v8, v6  }
0x1b8: {  	v7 =	vadd.f32 v11, v7  }
0x1b9: {  	v5 =	vadd.f32 v5, v6  }
0x1ba: {  	v6 =	vmax.f32 v7, $1.000000000e+00  }
0x1bb: {  	(erf) = vrcp.f32 v6;
	v6 =	vmax.f32 v5, $1.000000000e+00  }
0x1bc: {  	(erf) = vrcp.f32 v6;
	_ =	sdelay $0x7  }
0x1bd: {  	v6 =	vpop (erf)  }
0x1be: {  	vm1 =	vgt.f32 v5, $0.0e+00;
	vm0 =	vgt.f32 v7, $0.0e+00;
	v5 =	vpop (erf)  }
0x1bf: {  	v6 =	vnsel vm0, $0x0, v6;
	v5 =	vnsel vm1, $0x0, v5  }
0x1c0: {  	v7 =	vadd.f32 v5, v6;
	_ =	sdelay $0x1  }
0x1c1: {  	(xrf2) =	vadd.scan.msk.f32 $0xffff, v7;
	_ =	sdelay $0x9  }
0x1c2: {  	v7, _, _ =	vpop (xrf2)  }
0x1c3: {  	v7 =	vbroadcast v7, $0xF;
	_ =	sdelay $0x1  }
0x1c4: {  	(erf) = vrcp.f32 v7;
	_ =	sdelay $0x8  }
0x1c5: {  	v7 =	vpop (erf)  }
0x1c6: {  	v6 =	vmul.f32 v7, v6  }
0x1c7: {  	v5 =	vmul.f32 v7, v5  }
0x1c8: {  	[tilespmem:$0x18400] =	vst v6  }
0x1c9: {  	s24 =	simm.s32 $0x0;
	s25 =	simm.s32 $0x0;
	[tilespmem:$0x18410] =	vst v5  }
.LBB2_11:
0x1ca: {  	p0 =	seq.s32 s25, $0x0;
	s0 =	sshll.u32 s25, $0xD  }
0x1cb: {  	s1 =	simm.s32 @!p0 $0x3;
	s0 =	sand.u32 $0x3FFFE000, s0  }
0x1cc: {  	s22 =	sand.u32 $0xF80, s24;
	_ =	swait.ge @!p0 [sflag:s1], $0x4000;
	s26 =	sadd.s32 $0x10000, s0  }
0x1cd: {  	s4 =	sand.u32 $0x60, s24;
	[sflag:s1] =	ssyncset.done @!p0 $0x0;
	s0 =	sadd.s32 s22, s26  }
0x1ce: {  	[sflag:s1] =	ssyncadd.s32 @!p0 $0xFFFFC000;
	s8 =	sadd.s32 s4, s0  }
0x1cf: {  	v5 =	vld [tilespmem:s8+$0x0];
	_ =	sdelay $0x4  }
0x1d0: {  	s23 =	simm.s32 $0x20;
	v6 =	vand.u32 $0xFF, v5  }
0x1d1: {  	s30 =	sand.u32 $0xF80, s23  }
0x1d2: {  	s0 =	sand.u32 $0x60, s23;
	s1 =	sadd.s32 s30, s26  }
0x1d3: {  	s31 =	sadd.s32 s0, s1  }
0x1d4: {  	v7 =	vld [tilespmem:s31+$0x0]  }
0x1d5: {  	v8 =	vshrl.u32 v5, $0x8;
	v6 =	vld.idx.msk [tilespmem:v6+s18+$0x0], $0xffff  }
0x1d6: {  	v8 =	vand.u32 $0xFF, v8;
	_ =	sdelay $0x1  }
0x1d7: {  	s1 =	simm.s32 $0x40  }
0x1d8: {  	s5 =	simm.s32 $0x8040;
	s9 =	sand.u32 $0xF80, s1;
	v9 =	vand.u32 $0xFF, v7  }
0x1d9: {  	s0 =	sand.u32 $0x60, s1;
	s1 =	sadd.s32 s9, s26;
	[tilespmem:s5+$0xFFFFFFC0] =	vst v6  }
0x1da: {  	s21 =	sadd.s32 s0, s1;
	v6 =	vld.idx.msk [tilespmem:v8+s18+$0x0], $0xffff;
	v8 =	vshrl.u32 v5, $0x10  }
0x1db: {  	v10 =	vld [tilespmem:s21+$0x0];
	v8 =	vand.u32 $0xFF, v8;
	_ =	sdelay $0x1  }
0x1dc: {  	v11 =	vshrl.u32 v7, $0x8;
	v9 =	vld.idx.msk [tilespmem:v9+s18+$0x0], $0xffff  }
0x1dd: {  	s11 =	simm.s32 $0x60;
	v11 =	vand.u32 $0xFF, v11  }
0x1de: {  	s9 =	sand.u32 $0xF80, s11;
	[tilespmem:s5+$0xFFFFFFD0] =	vst v6  }
0x1df: {  	s0 =	sand.u32 $0x60, s11;
	s9 =	sadd.s32 s9, s26;
	v6 =	vand.u32 $0xFF, v10;
	v8 =	vld.idx.msk [tilespmem:v8+s18+$0x0], $0xffff  }
0x1e0: {  	s1 =	simm.s32 $0x80C0;
	s22 =	sadd.s32 s0, s9;
	v5 =	vshra.s32 v5, $0x18  }
0x1e1: {  	v12 =	vld [tilespmem:s22+$0x0];
	[tilespmem:s1+$0xFFFFFFC0] =	vst v9  }
0x1e2: {  	v9 =	vld.idx.msk [tilespmem:v11+s18+$0x0], $0xffff;
	v11 =	vshrl.u32 v7, $0x10  }
0x1e3: {  	s12 =	simm.s32 $0x80;
	v11 =	vand.u32 $0xFF, v11  }
0x1e4: {  	s11 =	sand.u32 $0xF80, s12;
	v6 =	vld.idx.msk [tilespmem:v6+s18+$0x0], $0xffff;
	[tilespmem:s5+$0xFFFFFFE0] =	vst v8;
	v8 =	vshrl.u32 v10, $0x8  }
0x1e5: {  	s9 =	sand.u32 $0x60, s12;
	s11 =	sadd.s32 s11, s26;
	v5 =	vld.idx.msk [tilespmem:v5+s18+$0x0], $0xffff;
	v8 =	vand.u32 $0xFF, v8  }
0x1e6: {  	s11 =	sadd.s32 s9, s11  }
0x1e7: {  	v15 =	vld [tilespmem:s11+$0x0];
	[tilespmem:s1+$0xFFFFFFD0] =	vst v9;
	v9 =	vand.u32 $0xFF, v12  }
0x1e8: {  	s0 =	simm.s32 $0x8140;
	v11 =	vld.idx.msk [tilespmem:v11+s18+$0x0], $0xffff  }
0x1e9: {  	[tilespmem:s0+$0xFFFFFFC0] =	vst v6;
	v6 =	vshra.s32 v7, $0x18  }
0x1ea: {  	v8 =	vld.idx.msk [tilespmem:v8+s18+$0x0], $0xffff;
	[tilespmem:s5+$0xFFFFFFF0] =	vst v5;
	v5 =	vshrl.u32 v10, $0x10  }
0x1eb: {  	s16 =	simm.s32 $0xA0;
	v13 =	vld [tilespmem:s8+$0x10];
	v5 =	vand.u32 $0xFF, v5  }
0x1ec: {  	s23 =	sand.u32 $0xF80, s16;
	v9 =	vld.idx.msk [tilespmem:v9+s18+$0x0], $0xffff  }
0x1ed: {  	s9 =	sadd.s32 s23, s26;
	v14 =	vand.u32 $0xFF, v15;
	[tilespmem:s1+$0xFFFFFFE0] =	vst v11;
	v7 =	vshrl.u32 v12, $0x8;
	s8 =	sand.u32 $0x60, s16  }
0x1ee: {  	v11 =	vand.u32 $0xFF, v7;
	s29 =	sadd.s32 s8, s9;
	v6 =	vld.idx.msk [tilespmem:v6+s18+$0x0], $0xffff  }
0x1ef: {  	v7 =	vld [tilespmem:s29+$0x0];
	[tilespmem:s0+$0xFFFFFFD0] =	vst v8  }
0x1f0: {  	s8 =	simm.s32 $0x81C0;
	v8 =	vand.u32 $0xFF, v13;
	v5 =	vld.idx.msk [tilespmem:v5+s18+$0x0], $0xffff  }
0x1f1: {  	[tilespmem:s8+$0xFFFFFFC0] =	vst v9;
	v9 =	vshra.s32 v10, $0x18  }
0x1f2: {  	v14 =	vld.idx.msk [tilespmem:v14+s18+$0x0], $0xffff  }
0x1f3: {  	s30 =	simm.s32 $0xC0;
	v10 =	vld.idx.msk [tilespmem:v11+s18+$0x0], $0xffff;
	v11 =	vshrl.u32 v12, $0x10;
	[tilespmem:s1+$0xFFFFFFF0] =	vst v6  }
0x1f4: {  	v11 =	vand.u32 $0xFF, v11;
	v6 =	vld [tilespmem:s31+$0x10];
	s31 =	sand.u32 $0xF80, s30  }
0x1f5: {  	s9 =	sand.u32 $0x60, s30;
	v17 =	vshrl.u32 v13, $0x8;
	v16 =	vand.u32 $0xFF, v7;
	s4 =	sadd.s32 s31, s26;
	v8 =	vld.idx.msk [tilespmem:v8+s18+$0x0], $0xffff;
	[tilespmem:s0+$0xFFFFFFE0] =	vst v5  }
0x1f6: {  	v17 =	vand.u32 $0xFF, v17;
	v5 =	vshrl.u32 v15, $0x8;
	s4 =	sadd.s32 s9, s4;
	v18 =	vld.idx.msk [tilespmem:v9+s18+$0x0], $0xffff  }
0x1f7: {  	v5 =	vand.u32 $0xFF, v5;
	v9 =	vld [tilespmem:s4+$0x0]  }
0x1f8: {  	[tilespmem:s8+$0xFFFFFFD0] =	vst v10  }
0x1f9: {  	v10 =	vld.idx.msk [tilespmem:v11+s18+$0x0], $0xffff;
	v11 =	vand.u32 $0xFF, v6  }
0x1fa: {  	s9 =	simm.s32 $0x8240;
	v16 =	vld.idx.msk [tilespmem:v16+s18+$0x0], $0xffff;
	[tilespmem:s5+$0x0] =	vst v8  }
0x1fb: {  	s12 =	simm.s32 $0xE0;
	[tilespmem:s9+$0xFFFFFFC0] =	vst v14;
	v8 =	vshra.s32 v12, $0x18;
	v14 =	vld.idx.msk [tilespmem:v17+s18+$0x0], $0xffff  }
0x1fc: {  	s16 =	sand.u32 $0xF80, s12;
	v12 =	vshrl.u32 v13, $0x10;
	v17 =	vld.idx.msk [tilespmem:v5+s18+$0x0], $0xffff;
	[tilespmem:s0+$0xFFFFFFF0] =	vst v18;
	v21 =	vand.u32 $0xFF, v9  }
0x1fd: {  	s12 =	sand.u32 $0x60, s12;
	s16 =	sadd.s32 s16, s26;
	v18 =	vshrl.u32 v15, $0x10;
	v19 =	vand.u32 $0xFF, v12;
	v5 =	vld [tilespmem:s21+$0x10]  }
0x1fe: {  	[tilespmem:s8+$0xFFFFFFE0] =	vst v10;
	v10 =	vshrl.u32 v6, $0x8;
	v18 =	vand.u32 $0xFF, v18;
	s21 =	sadd.s32 s12, s16;
	v20 =	vld.idx.msk [tilespmem:v11+s18+$0x0], $0xffff  }
0x1ff: {  	v10 =	vand.u32 $0xFF, v10;
	v11 =	vshrl.u32 v7, $0x8;
	v12 =	vld [tilespmem:s21+$0x0]  }
0x200: {  	v22 =	vand.u32 $0xFF, v11;
	v8 =	vld.idx.msk [tilespmem:v8+s18+$0x0], $0xffff;
	[tilespmem:s5+$0x10] =	vst v14  }
0x201: {  	s28 =	simm.s32 $0x82C0;
	[tilespmem:s9+$0xFFFFFFD0] =	vst v17;
	v17 =	vld.idx.msk [tilespmem:v21+s18+$0x0], $0xffff  }
0x202: {  	[tilespmem:s28+$0xFFFFFFC0] =	vst v16;
	v11 =	vld.idx.msk [tilespmem:v19+s18+$0x0], $0xffff;
	v16 =	vand.u32 $0xFF, v5  }
0x203: {  	v13 =	vshra.s32 v13, $0x18;
	v14 =	vld.idx.msk [tilespmem:v18+s18+$0x0], $0xffff;
	[tilespmem:s1+$0x0] =	vst v20  }
0x204: {  	v18 =	vshra.s32 v15, $0x18;
	v10 =	vld.idx.msk [tilespmem:v10+s18+$0x0], $0xffff  }
0x205: {  	v21 =	vshrl.u32 v6, $0x10;
	v19 =	vld.idx.msk [tilespmem:v22+s18+$0x0], $0xffff;
	[tilespmem:s8+$0xFFFFFFF0] =	vst v8  }
0x206: {  	s23 =	simm.s32 $0x100;
	s16 =	simm.s32 $0x82C0;
	v15 =	vand.u32 $0xFF, v21;
	v20 =	vshrl.u32 v7, $0x10;
	v8 =	vld [tilespmem:s22+$0x10]  }
.LBB2_12:
0x207: {  	s12 =	sand.u32 $0xF80, s23;
	p1 =	sne.s32 s23, $0xFE0;
	v20 =	vand.u32 $0xFF, v20;
	v21 =	vld.idx.msk [tilespmem:v16+s18+$0x0], $0xffff;
	[tilespmem:s5+$0x20] =	vst v11;
	s22 =	smov.u32 s4  }
0x208: {  	s30 =	sand.u32 $0x60, s23;
	v22 =	vand.u32 $0xFF, v12;
	v11 =	vshrl.u32 v5, $0x8;
	s4 =	smov.u32 s21;
	s12 =	sadd.s32 s12, s26;
	[tilespmem:s9+$0xFFFFFFE0] =	vst v14;
	v23 =	vld.idx.msk [tilespmem:v13+s18+$0x0], $0xffff  }
0x209: {  	v13 =	vshrl.u32 v9, $0x8;
	v25 =	vand.u32 $0xFF, v11;
	s21 =	sadd.s32 s30, s12;
	v24 =	vld.idx.msk [tilespmem:v18+s18+$0x0], $0xffff  }
0x20a: {  	v27 =	vand.u32 $0xFF, v13;
	v26 =	vld [tilespmem:s21+$0x0];
	[tilespmem:s1+$0x10] =	vst v10  }
0x20b: {  	s16 =	sadd.s32 $0x80, s16;
	[tilespmem:s28+$0xFFFFFFD0] =	vst v19;
	v11 =	vld.idx.msk [tilespmem:v15+s18+$0x0], $0xffff  }
.Ltmp5:
0x20c: {  	v16 =	vand.u32 $0xFF, v8;
	[tilespmem:s16+$0xFFFFFFC0] =	vst v17;
	v14 =	vld.idx.msk [tilespmem:v20+s18+$0x0], $0xffff;
	(pc) =	sbr.rel @p1 .LBB2_12-.Ltmp5, $4  }
0x20d: {  	v13 =	vshra.s32 v6, $0x18;
	v6 =	vmov v5;
	v5 =	vmov v8;
	v17 =	vld.idx.msk [tilespmem:v22+s18+$0x0], $0xffff;
	[tilespmem:s0+$0x0] =	vst v21  }
0x20e: {  	v18 =	vshra.s32 v7, $0x18;
	v7 =	vmov v9;
	v9 =	vmov v12;
	v10 =	vld.idx.msk [tilespmem:v25+s18+$0x0], $0xffff;
	[tilespmem:s5+$0x30] =	vst v23;
	s5 =	smov.u32 s1;
	s1 =	smov.u32 s0;
	s0 =	smov.u32 s8  }
0x20f: {  	v15 =	vshrl.u32 v6, $0x10;
	s8 =	smov.u32 s9;
	v19 =	vld.idx.msk [tilespmem:v27+s18+$0x0], $0xffff;
	[tilespmem:s9+$0xFFFFFFF0] =	vst v24;
	v12 =	vmov v26;
	s9 =	smov.u32 s28;
	s28 =	smov.u32 s16  }
0x210: {  	s23 =	sadd.s32 $0x20, s23;
	v20 =	vshrl.u32 v7, $0x10;
	v15 =	vand.u32 $0xFF, v15;
	v8 =	vld [tilespmem:s11+$0x10];
	s11 =	smov.u32 s29;
	s29 =	smov.u32 s22  }
0x211: {  	v21 =	vand.u32 $0xFF, v12;
	_ =	sdelay $0x3  }
0x212: {  	v22 =	vshrl.u32 v9, $0x8  }
0x213: {  	v23 =	vshrl.u32 v12, $0x8;
	v22 =	vand.u32 $0xFF, v22;
	v21 =	vld.idx.msk [tilespmem:v21+s18+$0x0], $0xffff  }
0x214: {  	v23 =	vand.u32 $0xFF, v23;
	_ =	sdelay $0x1  }
0x215: {  	s26 =	sadd.s32 $0x80, s16  }
0x216: {  	[tilespmem:s26+$0xFFFFFFC0] =	vst v17;
	s22 =	sadd.s32 $0x80, s26  }
0x217: {  	v17 =	vand.u32 $0xFF, v20;
	v20 =	vld.idx.msk [tilespmem:v22+s18+$0x0], $0xffff;
	v22 =	vshrl.u32 v9, $0x10;
	[tilespmem:s22+$0xFFFFFFC0] =	vst v21  }
0x218: {  	v21 =	vand.u32 $0xFF, v22;
	v22 =	vld.idx.msk [tilespmem:v23+s18+$0x0], $0xffff;
	v23 =	vshrl.u32 v12, $0x10  }
0x219: {  	v23 =	vand.u32 $0xFF, v23;
	_ =	sdelay $0x1  }
0x21a: {  	[tilespmem:s28+$0xFFFFFFD0] =	vst v19  }
0x21b: {  	v17 =	vld.idx.msk [tilespmem:v17+s18+$0x0], $0xffff;
	[tilespmem:s26+$0xFFFFFFD0] =	vst v20  }
0x21c: {  	v7 =	vshra.s32 v7, $0x18;
	v19 =	vld.idx.msk [tilespmem:v21+s18+$0x0], $0xffff;
	[tilespmem:s22+$0xFFFFFFD0] =	vst v22  }
0x21d: {  	v9 =	vshra.s32 v9, $0x18;
	v20 =	vld.idx.msk [tilespmem:v23+s18+$0x0], $0xffff  }
0x21e: {  	v12 =	vshra.s32 v12, $0x18  }
0x21f: {  	[tilespmem:s9+$0xFFFFFFE0] =	vst v14  }
0x220: {  	v14 =	vld.idx.msk [tilespmem:v18+s18+$0x0], $0xffff;
	[tilespmem:s28+$0xFFFFFFE0] =	vst v17  }
0x221: {  	v7 =	vld.idx.msk [tilespmem:v7+s18+$0x0], $0xffff;
	[tilespmem:s26+$0xFFFFFFE0] =	vst v19  }
0x222: {  	v9 =	vld.idx.msk [tilespmem:v9+s18+$0x0], $0xffff;
	[tilespmem:s22+$0xFFFFFFE0] =	vst v20  }
0x223: {  	v12 =	vld.idx.msk [tilespmem:v12+s18+$0x0], $0xffff;
	_ =	sdelay $0x1  }
0x224: {  	v16 =	vld.idx.msk [tilespmem:v16+s18+$0x0], $0xffff;
	[tilespmem:s9+$0xFFFFFFF0] =	vst v14  }
0x225: {  	v14 =	vld [tilespmem:s11+$0x10];
	[tilespmem:s28+$0xFFFFFFF0] =	vst v7  }
0x226: {  	v7 =	vld [tilespmem:s29+$0x10];
	[tilespmem:s26+$0xFFFFFFF0] =	vst v9  }
0x227: {  	v9 =	vshrl.u32 v5, $0x8;
	v17 =	vld [tilespmem:s4+$0x10];
	[tilespmem:s22+$0xFFFFFFF0] =	vst v12  }
0x228: {  	v9 =	vand.u32 $0xFF, v9;
	v12 =	vld [tilespmem:s21+$0x10]  }
0x229: {  	v18 =	vand.u32 $0xFF, v8  }
0x22a: {  	[tilespmem:s5+$0x20] =	vst v11;
	v11 =	vand.u32 $0xFF, v14  }
0x22b: {  	v13 =	vld.idx.msk [tilespmem:v13+s18+$0x0], $0xffff;
	[tilespmem:s1+$0x10] =	vst v10;
	v10 =	vand.u32 $0xFF, v7  }
0x22c: {  	v15 =	vld.idx.msk [tilespmem:v15+s18+$0x0], $0xffff;
	[tilespmem:s0+$0x0] =	vst v16;
	v16 =	vand.u32 $0xFF, v17  }
0x22d: {  	v9 =	vld.idx.msk [tilespmem:v9+s18+$0x0], $0xffff;
	v19 =	vand.u32 $0xFF, v12  }
0x22e: {  	v6 =	vshra.s32 v6, $0x18;
	v18 =	vld.idx.msk [tilespmem:v18+s18+$0x0], $0xffff;
	v20 =	vshrl.u32 v8, $0x8  }
0x22f: {  	v21 =	vshrl.u32 v14, $0x8;
	v11 =	vld.idx.msk [tilespmem:v11+s18+$0x0], $0xffff;
	v20 =	vand.u32 $0xFF, v20  }
0x230: {  	[tilespmem:s5+$0x30] =	vst v13;
	v13 =	vand.u32 $0xFF, v21;
	v21 =	vshrl.u32 v7, $0x8;
	v10 =	vld.idx.msk [tilespmem:v10+s18+$0x0], $0xffff  }
0x231: {  	[tilespmem:s1+$0x20] =	vst v15;
	v15 =	vand.u32 $0xFF, v21;
	v21 =	vshrl.u32 v17, $0x8;
	v16 =	vld.idx.msk [tilespmem:v16+s18+$0x0], $0xffff  }
0x232: {  	[tilespmem:s0+$0x10] =	vst v9;
	v9 =	vand.u32 $0xFF, v21;
	v21 =	vshrl.u32 v12, $0x8;
	v19 =	vld.idx.msk [tilespmem:v19+s18+$0x0], $0xffff  }
0x233: {  	v6 =	vld.idx.msk [tilespmem:v6+s18+$0x0], $0xffff;
	[tilespmem:s8+$0x0] =	vst v18;
	v18 =	vshrl.u32 v5, $0x10;
	v21 =	vand.u32 $0xFF, v21  }
0x234: {  	v18 =	vand.u32 $0xFF, v18;
	[tilespmem:s9+$0x0] =	vst v11;
	v11 =	vshrl.u32 v8, $0x10;
	v20 =	vld.idx.msk [tilespmem:v20+s18+$0x0], $0xffff  }
0x235: {  	v11 =	vand.u32 $0xFF, v11;
	v13 =	vld.idx.msk [tilespmem:v13+s18+$0x0], $0xffff;
	[tilespmem:s28+$0x0] =	vst v10;
	v10 =	vshrl.u32 v14, $0x10  }
0x236: {  	v10 =	vand.u32 $0xFF, v10;
	v15 =	vld.idx.msk [tilespmem:v15+s18+$0x0], $0xffff;
	[tilespmem:s26+$0x0] =	vst v16;
	v16 =	vshrl.u32 v7, $0x10  }
0x237: {  	v16 =	vand.u32 $0xFF, v16;
	v9 =	vld.idx.msk [tilespmem:v9+s18+$0x0], $0xffff;
	[tilespmem:s22+$0x0] =	vst v19;
	v19 =	vshrl.u32 v17, $0x10  }
0x238: {  	[tilespmem:s1+$0x30] =	vst v6;
	v6 =	vand.u32 $0xFF, v19;
	v19 =	vld.idx.msk [tilespmem:v21+s18+$0x0], $0xffff;
	v21 =	vshrl.u32 v12, $0x10  }
0x239: {  	[tilespmem:s8+$0x10] =	vst v20;
	v18 =	vld.idx.msk [tilespmem:v18+s18+$0x0], $0xffff;
	v20 =	vand.u32 $0xFF, v21  }
0x23a: {  	v5 =	vshra.s32 v5, $0x18;
	[tilespmem:s9+$0x10] =	vst v13;
	v11 =	vld.idx.msk [tilespmem:v11+s18+$0x0], $0xffff  }
0x23b: {  	v8 =	vshra.s32 v8, $0x18;
	v10 =	vld.idx.msk [tilespmem:v10+s18+$0x0], $0xffff;
	[tilespmem:s28+$0x10] =	vst v15  }
0x23c: {  	v13 =	vshra.s32 v14, $0x18;
	v14 =	vld.idx.msk [tilespmem:v16+s18+$0x0], $0xffff;
	[tilespmem:s26+$0x10] =	vst v9  }
0x23d: {  	v7 =	vshra.s32 v7, $0x18;
	v6 =	vld.idx.msk [tilespmem:v6+s18+$0x0], $0xffff;
	[tilespmem:s22+$0x10] =	vst v19  }
0x23e: {  	[tilespmem:s0+$0x20] =	vst v18;
	v9 =	vshra.s32 v17, $0x18;
	v15 =	vld.idx.msk [tilespmem:v20+s18+$0x0], $0xffff  }
0x23f: {  	[tilespmem:s8+$0x20] =	vst v11;
	v11 =	vshra.s32 v12, $0x18;
	v5 =	vld.idx.msk [tilespmem:v5+s18+$0x0], $0xffff  }
0x240: {  	v8 =	vld.idx.msk [tilespmem:v8+s18+$0x0], $0xffff;
	[tilespmem:s9+$0x20] =	vst v10  }
0x241: {  	v10 =	vld.idx.msk [tilespmem:v13+s18+$0x0], $0xffff;
	[tilespmem:s28+$0x20] =	vst v14  }
0x242: {  	v7 =	vld.idx.msk [tilespmem:v7+s18+$0x0], $0xffff;
	[tilespmem:s26+$0x20] =	vst v6  }
0x243: {  	v6 =	vld.idx.msk [tilespmem:v9+s18+$0x0], $0xffff;
	[tilespmem:s22+$0x20] =	vst v15  }
0x244: {  	[tilespmem:s0+$0x30] =	vst v5;
	v5 =	vld.idx.msk [tilespmem:v11+s18+$0x0], $0xffff  }
0x245: {  	[tilespmem:s8+$0x30] =	vst v8  }
0x246: {  	[tilespmem:s9+$0x30] =	vst v10  }
0x247: {  	[tilespmem:s28+$0x30] =	vst v7  }
0x248: {  	s21 =	sshll.u32 s25, $0xC;
	[tilespmem:s26+$0x30] =	vst v6;
	s26 =	sshllo.u32 s25, $0x1  }
0x249: {  	s0 =	sadd.s32 s21, s10;
	[tilespmem:s22+$0x30] =	vst v5;
	s22 =	sshll.u32 s26, $0xC  }
0x24a: {  	[hbm4b:s0+s3] =	stream.linear.scatter [tilespmem:s19], [sflag:$0x3], $0x4000, $0x38;
	[tilespmem:$0x18680] =	vst v63  }
0x24b: {  	s23 =	simm.s32 $0x0;
	s1 =	simm.s32 @!p0 $0x4;
	s0 =	sand.u32 $0x3FFFF000, s22  }
0x24c: {  	s31 =	sand.u32 $0xF80, s23;
	_ =	swait.ge @!p0 [sflag:s1], $0x4000;
	s28 =	sadd.s32 $0x10000, s0  }
0x24d: {  	s4 =	sand.u32 $0x60, s23;
	[sflag:s1] =	ssyncset.done @!p0 $0x0;
	s0 =	sadd.s32 s31, s28  }
0x24e: {  	[sflag:s1] =	ssyncadd.s32 @!p0 $0xFFFFC000;
	s8 =	sadd.s32 s4, s0  }
0x24f: {  	v5 =	vld [tilespmem:s8+$0x0];
	_ =	sdelay $0x4  }
0x250: {  	s5 =	simm.s32 $0x20;
	v6 =	vand.u32 $0xFF, v5  }
0x251: {  	s9 =	sand.u32 $0xF80, s5  }
0x252: {  	s0 =	sand.u32 $0x60, s5;
	s1 =	sadd.s32 s9, s28  }
0x253: {  	s4 =	sadd.s32 s0, s1  }
0x254: {  	v7 =	vld [tilespmem:s4+$0x0]  }
0x255: {  	v8 =	vshrl.u32 v5, $0x8;
	v6 =	vld.idx.msk [tilespmem:v6+s18+$0x0], $0xffff  }
0x256: {  	v8 =	vand.u32 $0xFF, v8;
	_ =	sdelay $0x1  }
0x257: {  	s11 =	simm.s32 $0x40  }
0x258: {  	s12 =	sand.u32 $0xF80, s11;
	s5 =	simm.s32 $0xC040;
	v9 =	vand.u32 $0xFF, v7  }
0x259: {  	s0 =	sand.u32 $0x60, s11;
	s1 =	sadd.s32 s12, s28;
	[tilespmem:s5+$0xFFFFFFC0] =	vst v6  }
0x25a: {  	s21 =	sadd.s32 s0, s1;
	v6 =	vld.idx.msk [tilespmem:v8+s18+$0x0], $0xffff;
	v8 =	vshrl.u32 v5, $0x10  }
0x25b: {  	v10 =	vld [tilespmem:s21+$0x0];
	v8 =	vand.u32 $0xFF, v8;
	_ =	sdelay $0x1  }
0x25c: {  	v11 =	vshrl.u32 v7, $0x8;
	v9 =	vld.idx.msk [tilespmem:v9+s18+$0x0], $0xffff  }
0x25d: {  	s16 =	simm.s32 $0x60;
	v11 =	vand.u32 $0xFF, v11  }
0x25e: {  	s22 =	sand.u32 $0xF80, s16;
	[tilespmem:s5+$0xFFFFFFD0] =	vst v6  }
0x25f: {  	s9 =	sadd.s32 s22, s28;
	s0 =	sand.u32 $0x60, s16;
	v6 =	vand.u32 $0xFF, v10;
	v8 =	vld.idx.msk [tilespmem:v8+s18+$0x0], $0xffff  }
0x260: {  	s1 =	simm.s32 $0xC0C0;
	s22 =	sadd.s32 s0, s9;
	v5 =	vshra.s32 v5, $0x18  }
0x261: {  	v12 =	vld [tilespmem:s22+$0x0];
	[tilespmem:s1+$0xFFFFFFC0] =	vst v9  }
0x262: {  	v9 =	vld.idx.msk [tilespmem:v11+s18+$0x0], $0xffff;
	v11 =	vshrl.u32 v7, $0x10  }
0x263: {  	s23 =	simm.s32 $0x80;
	v11 =	vand.u32 $0xFF, v11  }
0x264: {  	s31 =	sand.u32 $0xF80, s23;
	v6 =	vld.idx.msk [tilespmem:v6+s18+$0x0], $0xffff;
	[tilespmem:s5+$0xFFFFFFE0] =	vst v8;
	v8 =	vshrl.u32 v10, $0x8  }
0x265: {  	s11 =	sadd.s32 s31, s28;
	s9 =	sand.u32 $0x60, s23;
	v5 =	vld.idx.msk [tilespmem:v5+s18+$0x0], $0xffff;
	v8 =	vand.u32 $0xFF, v8  }
0x266: {  	s11 =	sadd.s32 s9, s11  }
0x267: {  	v15 =	vld [tilespmem:s11+$0x0];
	[tilespmem:s1+$0xFFFFFFD0] =	vst v9;
	v9 =	vand.u32 $0xFF, v12  }
0x268: {  	s0 =	simm.s32 $0xC140;
	v11 =	vld.idx.msk [tilespmem:v11+s18+$0x0], $0xffff  }
0x269: {  	[tilespmem:s0+$0xFFFFFFC0] =	vst v6;
	v6 =	vshra.s32 v7, $0x18  }
0x26a: {  	v8 =	vld.idx.msk [tilespmem:v8+s18+$0x0], $0xffff;
	[tilespmem:s5+$0xFFFFFFF0] =	vst v5;
	v5 =	vshrl.u32 v10, $0x10  }
0x26b: {  	s9 =	simm.s32 $0xA0;
	v13 =	vld [tilespmem:s8+$0x10];
	v5 =	vand.u32 $0xFF, v5  }
0x26c: {  	s12 =	sand.u32 $0xF80, s9;
	v9 =	vld.idx.msk [tilespmem:v9+s18+$0x0], $0xffff  }
0x26d: {  	v14 =	vand.u32 $0xFF, v15;
	[tilespmem:s1+$0xFFFFFFE0] =	vst v11;
	v7 =	vshrl.u32 v12, $0x8;
	s8 =	sand.u32 $0x60, s9;
	s9 =	sadd.s32 s12, s28  }
0x26e: {  	v11 =	vand.u32 $0xFF, v7;
	s30 =	sadd.s32 s8, s9;
	v6 =	vld.idx.msk [tilespmem:v6+s18+$0x0], $0xffff  }
0x26f: {  	v7 =	vld [tilespmem:s30+$0x0];
	[tilespmem:s0+$0xFFFFFFD0] =	vst v8  }
0x270: {  	s8 =	simm.s32 $0xC1C0;
	v8 =	vand.u32 $0xFF, v13;
	v5 =	vld.idx.msk [tilespmem:v5+s18+$0x0], $0xffff  }
0x271: {  	[tilespmem:s8+$0xFFFFFFC0] =	vst v9;
	v9 =	vshra.s32 v10, $0x18  }
0x272: {  	v14 =	vld.idx.msk [tilespmem:v14+s18+$0x0], $0xffff  }
0x273: {  	s16 =	simm.s32 $0xC0;
	v10 =	vld.idx.msk [tilespmem:v11+s18+$0x0], $0xffff;
	v11 =	vshrl.u32 v12, $0x10;
	[tilespmem:s1+$0xFFFFFFF0] =	vst v6  }
0x274: {  	s23 =	sand.u32 $0xF80, s16;
	v11 =	vand.u32 $0xFF, v11;
	v6 =	vld [tilespmem:s4+$0x10]  }
0x275: {  	s9 =	sand.u32 $0x60, s16;
	v17 =	vshrl.u32 v13, $0x8;
	v16 =	vand.u32 $0xFF, v7;
	s4 =	sadd.s32 s23, s28;
	v8 =	vld.idx.msk [tilespmem:v8+s18+$0x0], $0xffff;
	[tilespmem:s0+$0xFFFFFFE0] =	vst v5  }
0x276: {  	v17 =	vand.u32 $0xFF, v17;
	s4 =	sadd.s32 s9, s4;
	v5 =	vshrl.u32 v15, $0x8;
	v18 =	vld.idx.msk [tilespmem:v9+s18+$0x0], $0xffff  }
0x277: {  	v5 =	vand.u32 $0xFF, v5;
	v9 =	vld [tilespmem:s4+$0x0]  }
0x278: {  	[tilespmem:s8+$0xFFFFFFD0] =	vst v10  }
0x279: {  	v10 =	vld.idx.msk [tilespmem:v11+s18+$0x0], $0xffff;
	v11 =	vand.u32 $0xFF, v6  }
0x27a: {  	s9 =	simm.s32 $0xC240;
	v16 =	vld.idx.msk [tilespmem:v16+s18+$0x0], $0xffff;
	[tilespmem:s5+$0x0] =	vst v8  }
0x27b: {  	s12 =	simm.s32 $0xE0;
	[tilespmem:s9+$0xFFFFFFC0] =	vst v14;
	v8 =	vshra.s32 v12, $0x18;
	v14 =	vld.idx.msk [tilespmem:v17+s18+$0x0], $0xffff  }
0x27c: {  	s31 =	sand.u32 $0xF80, s12;
	v12 =	vshrl.u32 v13, $0x10;
	v17 =	vld.idx.msk [tilespmem:v5+s18+$0x0], $0xffff;
	[tilespmem:s0+$0xFFFFFFF0] =	vst v18;
	v21 =	vand.u32 $0xFF, v9  }
0x27d: {  	s12 =	sand.u32 $0x60, s12;
	s16 =	sadd.s32 s31, s28;
	v18 =	vshrl.u32 v15, $0x10;
	v19 =	vand.u32 $0xFF, v12;
	v5 =	vld [tilespmem:s21+$0x10]  }
0x27e: {  	[tilespmem:s8+$0xFFFFFFE0] =	vst v10;
	v10 =	vshrl.u32 v6, $0x8;
	v18 =	vand.u32 $0xFF, v18;
	s21 =	sadd.s32 s12, s16;
	v20 =	vld.idx.msk [tilespmem:v11+s18+$0x0], $0xffff  }
0x27f: {  	v10 =	vand.u32 $0xFF, v10;
	v11 =	vshrl.u32 v7, $0x8;
	v12 =	vld [tilespmem:s21+$0x0]  }
0x280: {  	v22 =	vand.u32 $0xFF, v11;
	v8 =	vld.idx.msk [tilespmem:v8+s18+$0x0], $0xffff;
	[tilespmem:s5+$0x10] =	vst v14  }
0x281: {  	s29 =	simm.s32 $0xC2C0;
	[tilespmem:s9+$0xFFFFFFD0] =	vst v17;
	v17 =	vld.idx.msk [tilespmem:v21+s18+$0x0], $0xffff  }
0x282: {  	[tilespmem:s29+$0xFFFFFFC0] =	vst v16;
	v11 =	vld.idx.msk [tilespmem:v19+s18+$0x0], $0xffff;
	v16 =	vand.u32 $0xFF, v5  }
0x283: {  	v13 =	vshra.s32 v13, $0x18;
	v14 =	vld.idx.msk [tilespmem:v18+s18+$0x0], $0xffff;
	[tilespmem:s1+$0x0] =	vst v20  }
0x284: {  	v18 =	vshra.s32 v15, $0x18;
	v10 =	vld.idx.msk [tilespmem:v10+s18+$0x0], $0xffff  }
0x285: {  	v21 =	vshrl.u32 v6, $0x10;
	v19 =	vld.idx.msk [tilespmem:v22+s18+$0x0], $0xffff;
	[tilespmem:s8+$0xFFFFFFF0] =	vst v8  }
0x286: {  	s23 =	simm.s32 $0x100;
	s16 =	simm.s32 $0xC2C0;
	v15 =	vand.u32 $0xFF, v21;
	v20 =	vshrl.u32 v7, $0x10;
	v8 =	vld [tilespmem:s22+$0x10]  }
.LBB2_14:
0x287: {  	s12 =	sand.u32 $0xF80, s23;
	p0 =	sne.s32 s23, $0xFE0;
	v20 =	vand.u32 $0xFF, v20;
	v21 =	vld.idx.msk [tilespmem:v16+s18+$0x0], $0xffff;
	[tilespmem:s5+$0x20] =	vst v11;
	s22 =	smov.u32 s4  }
0x288: {  	s31 =	sand.u32 $0x60, s23;
	v22 =	vand.u32 $0xFF, v12;
	v11 =	vshrl.u32 v5, $0x8;
	s4 =	smov.u32 s21;
	s12 =	sadd.s32 s12, s28;
	[tilespmem:s9+$0xFFFFFFE0] =	vst v14;
	v23 =	vld.idx.msk [tilespmem:v13+s18+$0x0], $0xffff  }
0x289: {  	v13 =	vshrl.u32 v9, $0x8;
	v25 =	vand.u32 $0xFF, v11;
	s21 =	sadd.s32 s31, s12;
	v24 =	vld.idx.msk [tilespmem:v18+s18+$0x0], $0xffff  }
0x28a: {  	v27 =	vand.u32 $0xFF, v13;
	v26 =	vld [tilespmem:s21+$0x0];
	[tilespmem:s1+$0x10] =	vst v10  }
0x28b: {  	s16 =	sadd.s32 $0x80, s16;
	[tilespmem:s29+$0xFFFFFFD0] =	vst v19;
	v11 =	vld.idx.msk [tilespmem:v15+s18+$0x0], $0xffff  }
.Ltmp6:
0x28c: {  	v16 =	vand.u32 $0xFF, v8;
	[tilespmem:s16+$0xFFFFFFC0] =	vst v17;
	v14 =	vld.idx.msk [tilespmem:v20+s18+$0x0], $0xffff;
	(pc) =	sbr.rel @p0 .LBB2_14-.Ltmp6, $4  }
0x28d: {  	v13 =	vshra.s32 v6, $0x18;
	v6 =	vmov v5;
	v5 =	vmov v8;
	v17 =	vld.idx.msk [tilespmem:v22+s18+$0x0], $0xffff;
	[tilespmem:s0+$0x0] =	vst v21  }
0x28e: {  	v18 =	vshra.s32 v7, $0x18;
	v7 =	vmov v9;
	v9 =	vmov v12;
	v10 =	vld.idx.msk [tilespmem:v25+s18+$0x0], $0xffff;
	[tilespmem:s5+$0x30] =	vst v23;
	s5 =	smov.u32 s1;
	s1 =	smov.u32 s0;
	s0 =	smov.u32 s8  }
0x28f: {  	v15 =	vshrl.u32 v6, $0x10;
	s8 =	smov.u32 s9;
	v19 =	vld.idx.msk [tilespmem:v27+s18+$0x0], $0xffff;
	[tilespmem:s9+$0xFFFFFFF0] =	vst v24;
	v12 =	vmov v26;
	s9 =	smov.u32 s29;
	s29 =	smov.u32 s16  }
0x290: {  	s23 =	sadd.s32 $0x20, s23;
	v20 =	vshrl.u32 v7, $0x10;
	v15 =	vand.u32 $0xFF, v15;
	v8 =	vld [tilespmem:s11+$0x10];
	s11 =	smov.u32 s30;
	s30 =	smov.u32 s22  }
0x291: {  	v21 =	vand.u32 $0xFF, v12;
	_ =	sdelay $0x3  }
0x292: {  	v22 =	vshrl.u32 v9, $0x8  }
0x293: {  	v23 =	vshrl.u32 v12, $0x8;
	v22 =	vand.u32 $0xFF, v22;
	v21 =	vld.idx.msk [tilespmem:v21+s18+$0x0], $0xffff  }
0x294: {  	v23 =	vand.u32 $0xFF, v23;
	_ =	sdelay $0x1  }
0x295: {  	s28 =	sadd.s32 $0x80, s16  }
0x296: {  	v25 =	vand.u32 $0xFF, v20;
	[tilespmem:s28+$0xFFFFFFC0] =	vst v17;
	s22 =	sadd.s32 $0x80, s28  }
0x297: {  	v27 =	vshrl.u32 v9, $0x10;
	v26 =	vld.idx.msk [tilespmem:v22+s18+$0x0], $0xffff;
	[tilespmem:s22+$0xFFFFFFC0] =	vst v21  }
0x298: {  	v30 =	vshrl.u32 v12, $0x10;
	v28 =	vand.u32 $0xFF, v27;
	v29 =	vld.idx.msk [tilespmem:v23+s18+$0x0], $0xffff  }
0x299: {  	v23 =	vand.u32 $0xFF, v30  }
0x29a: {  	[tilespmem:s29+$0xFFFFFFD0] =	vst v19  }
0x29b: {  	v17 =	vld.idx.msk [tilespmem:v25+s18+$0x0], $0xffff  }
0x29c: {  	v7 =	vshra.s32 v7, $0x18;
	[tilespmem:s28+$0xFFFFFFD0] =	vst v26  }
0x29d: {  	v31 =	vld.idx.msk [tilespmem:v28+s18+$0x0], $0xffff;
	[tilespmem:s22+$0xFFFFFFD0] =	vst v29  }
0x29e: {  	v32 =	vshra.s32 v9, $0x18;
	v33 =	vld.idx.msk [tilespmem:v23+s18+$0x0], $0xffff  }
0x29f: {  	[tilespmem:s9+$0xFFFFFFE0] =	vst v14;
	v34 =	vshra.s32 v12, $0x18  }
0x2a0: {  	v14 =	vld.idx.msk [tilespmem:v18+s18+$0x0], $0xffff;
	[tilespmem:s29+$0xFFFFFFE0] =	vst v17  }
0x2a1: {  	v7 =	vld.idx.msk [tilespmem:v7+s18+$0x0], $0xffff  }
0x2a2: {  	[tilespmem:s28+$0xFFFFFFE0] =	vst v31  }
0x2a3: {  	v9 =	vld.idx.msk [tilespmem:v32+s18+$0x0], $0xffff;
	[tilespmem:s22+$0xFFFFFFE0] =	vst v33  }
0x2a4: {  	v12 =	vld.idx.msk [tilespmem:v34+s18+$0x0], $0xffff  }
0x2a5: {  	[tilespmem:s9+$0xFFFFFFF0] =	vst v14  }
0x2a6: {  	v14 =	vld [tilespmem:s11+$0x10];
	[tilespmem:s29+$0xFFFFFFF0] =	vst v7  }
0x2a7: {  	v7 =	vld [tilespmem:s30+$0x10]  }
0x2a8: {  	[tilespmem:s28+$0xFFFFFFF0] =	vst v9  }
0x2a9: {  	v36 =	vld [tilespmem:s4+$0x10];
	[tilespmem:s22+$0xFFFFFFF0] =	vst v12  }
0x2aa: {  	v37 =	vand.u32 $0xFF, v8;
	v12 =	vld [tilespmem:s21+$0x10]  }
0x2ab: {  	v38 =	vand.u32 $0xFF, v14  }
0x2ac: {  	v16 =	vld.idx.msk [tilespmem:v16+s18+$0x0], $0xffff;
	v35 =	vshrl.u32 v5, $0x8;
	[tilespmem:s5+$0x20] =	vst v11;
	v39 =	vand.u32 $0xFF, v7  }
0x2ad: {  	v13 =	vld.idx.msk [tilespmem:v13+s18+$0x0], $0xffff;
	[tilespmem:s1+$0x10] =	vst v10;
	v9 =	vand.u32 $0xFF, v35  }
0x2ae: {  	v15 =	vld.idx.msk [tilespmem:v15+s18+$0x0], $0xffff;
	v40 =	vand.u32 $0xFF, v36  }
0x2af: {  	v18 =	vld.idx.msk [tilespmem:v37+s18+$0x0], $0xffff;
	v41 =	vand.u32 $0xFF, v12  }
0x2b0: {  	v6 =	vshra.s32 v6, $0x18;
	v42 =	vshrl.u32 v8, $0x8;
	v11 =	vld.idx.msk [tilespmem:v38+s18+$0x0], $0xffff  }
0x2b1: {  	[tilespmem:s0+$0x0] =	vst v16;
	v20 =	vand.u32 $0xFF, v42;
	v43 =	vshrl.u32 v14, $0x8;
	v10 =	vld.idx.msk [tilespmem:v39+s18+$0x0], $0xffff  }
0x2b2: {  	[tilespmem:s5+$0x30] =	vst v13;
	v44 =	vand.u32 $0xFF, v43;
	v45 =	vshrl.u32 v7, $0x8;
	v9 =	vld.idx.msk [tilespmem:v9+s18+$0x0], $0xffff  }
0x2b3: {  	[tilespmem:s1+$0x20] =	vst v15;
	v46 =	vand.u32 $0xFF, v45;
	v47 =	vshrl.u32 v36, $0x8;
	v16 =	vld.idx.msk [tilespmem:v40+s18+$0x0], $0xffff  }
0x2b4: {  	[tilespmem:s8+$0x0] =	vst v18;
	v48 =	vand.u32 $0xFF, v47;
	v49 =	vshrl.u32 v12, $0x8;
	v19 =	vld.idx.msk [tilespmem:v41+s18+$0x0], $0xffff  }
0x2b5: {  	v50 =	vshrl.u32 v5, $0x10;
	v6 =	vld.idx.msk [tilespmem:v6+s18+$0x0], $0xffff;
	[tilespmem:s9+$0x0] =	vst v11;
	v21 =	vand.u32 $0xFF, v49  }
0x2b6: {  	v51 =	vshrl.u32 v8, $0x10;
	v18 =	vand.u32 $0xFF, v50;
	v20 =	vld.idx.msk [tilespmem:v20+s18+$0x0], $0xffff;
	[tilespmem:s29+$0x0] =	vst v10  }
0x2b7: {  	v52 =	vshrl.u32 v14, $0x10;
	v11 =	vand.u32 $0xFF, v51;
	v13 =	vld.idx.msk [tilespmem:v44+s18+$0x0], $0xffff;
	[tilespmem:s0+$0x10] =	vst v9  }
0x2b8: {  	v53 =	vshrl.u32 v7, $0x10;
	v10 =	vand.u32 $0xFF, v52;
	v15 =	vld.idx.msk [tilespmem:v46+s18+$0x0], $0xffff;
	[tilespmem:s28+$0x0] =	vst v16  }
0x2b9: {  	v54 =	vshrl.u32 v36, $0x10;
	v16 =	vand.u32 $0xFF, v53;
	v9 =	vld.idx.msk [tilespmem:v48+s18+$0x0], $0xffff;
	[tilespmem:s22+$0x0] =	vst v19  }
0x2ba: {  	[tilespmem:s1+$0x30] =	vst v6;
	v6 =	vand.u32 $0xFF, v54;
	v56 =	vshrl.u32 v12, $0x10;
	v55 =	vld.idx.msk [tilespmem:v21+s18+$0x0], $0xffff  }
0x2bb: {  	[tilespmem:s8+$0x10] =	vst v20;
	v18 =	vld.idx.msk [tilespmem:v18+s18+$0x0], $0xffff;
	v57 =	vand.u32 $0xFF, v56  }
0x2bc: {  	v5 =	vshra.s32 v5, $0x18;
	v11 =	vld.idx.msk [tilespmem:v11+s18+$0x0], $0xffff;
	[tilespmem:s9+$0x10] =	vst v13  }
0x2bd: {  	v58 =	vshra.s32 v8, $0x18;
	v10 =	vld.idx.msk [tilespmem:v10+s18+$0x0], $0xffff;
	[tilespmem:s29+$0x10] =	vst v15  }
0x2be: {  	v59 =	vshra.s32 v14, $0x18;
	v60 =	vld.idx.msk [tilespmem:v16+s18+$0x0], $0xffff;
	[tilespmem:s28+$0x10] =	vst v9  }
0x2bf: {  	v7 =	vshra.s32 v7, $0x18;
	v6 =	vld.idx.msk [tilespmem:v6+s18+$0x0], $0xffff;
	[tilespmem:s22+$0x10] =	vst v55  }
0x2c0: {  	v61 =	vshra.s32 v36, $0x18;
	[tilespmem:s0+$0x20] =	vst v18;
	v62 =	vld.idx.msk [tilespmem:v57+s18+$0x0], $0xffff  }
0x2c1: {  	[tilespmem:s8+$0x20] =	vst v11;
	v63 =	vshra.s32 v12, $0x18;
	v5 =	vld.idx.msk [tilespmem:v5+s18+$0x0], $0xffff  }
0x2c2: {  	v8 =	vld.idx.msk [tilespmem:v58+s18+$0x0], $0xffff;
	[tilespmem:s9+$0x20] =	vst v10  }
0x2c3: {  	v10 =	vld.idx.msk [tilespmem:v59+s18+$0x0], $0xffff;
	[tilespmem:s29+$0x20] =	vst v60  }
0x2c4: {  	v7 =	vld.idx.msk [tilespmem:v7+s18+$0x0], $0xffff;
	[tilespmem:s28+$0x20] =	vst v6  }
0x2c5: {  	v6 =	vld.idx.msk [tilespmem:v61+s18+$0x0], $0xffff;
	[tilespmem:s22+$0x20] =	vst v62  }
0x2c6: {  	s25 =	sadd.s32 $0x1, s25;
	[tilespmem:s0+$0x30] =	vst v5;
	v5 =	vld.idx.msk [tilespmem:v63+s18+$0x0], $0xffff  }
0x2c7: {  	p0 =	sne.s32 s25, $0x4;
	[tilespmem:s8+$0x30] =	vst v8  }
.Ltmp7:
0x2c8: {  	[tilespmem:s9+$0x30] =	vst v10;
	(pc) =	sbr.rel @p0 .LBB2_11-.Ltmp7, $4  }
0x2c9: {  	[tilespmem:s29+$0x30] =	vst v7  }
0x2ca: {  	s31 =	sshll.u32 s26, $0xB;
	[tilespmem:s28+$0x30] =	vst v6  }
0x2cb: {  	s0 =	sadd.s32 s31, s10;
	[tilespmem:s22+$0x30] =	vst v5  }
0x2cc: {  	[hbm4b:s0+s3] =	stream.linear.scatter [tilespmem:s20], [sflag:$0x4], $0x4000, $0x38;
	[tilespmem:$0x18680] =	vst v63  }
0x2cd: {  	s0 =	simm.s32 $0x3  }
0x2ce: {  	_ =	swait.ge [sflag:s0], $0x4000  }
0x2cf: {  	[sflag:s0] =	ssyncset.done $0x0  }
0x2d0: {  	s1 =	simm.s32 $0x4;
	[sflag:s0] =	ssyncadd.s32 $0xFFFFC000  }
0x2d1: {  	_ =	swait.ge [sflag:s1], $0x4000  }
0x2d2: {  	s4 =	rddreg [dreg:$0x9]  }
0x2d3: {  	s31 =	rddreg [dreg:$0x8];
	s4 =	sadd.s32 $0x1, s4  }
0x2d4: {  	p0 =	sne.s32 s4, s31  }
.Ltmp8:
0x2d5: {  	_ = 	snop;
	(pc) =	sbr.rel @p0 .LBB2_1-.Ltmp8, $3  }
0x2d6: {  	_ =	sdelay $0x1  }
0x2d7: {  	[sflag:s1] =	ssyncset.done $0x0  }
0x2d8: {  	[sflag:s1] =	ssyncadd.s32 $0xFFFFC000  }
0x2d9: {  	_ =	sfence.sel $0x180000  }
0x2da: {  	[bflag:$0x0] =	sbarrier.arrive $0xFFFF  }
0x2db: {  	_ =	strace $0x90000047  }
0x2dc: {  	s0 =	stileid.u32;
	[bflag:$0x2] =	sbarrier.arrive $0xFFFF  }
0x2dd: {  	p0 =	sne.s32 s0, $0x0;
	s0 =	rddreg [dreg:$0x3]  }
0x2de: {  	s0 =	sadd.s32 @!p0 $0x100000, s0  }
0x2df: {  	[sflag:s0] =	ssyncadd.tile.s32 @!p0 $0x1;
	_ =	shalt  }
.Lfunc_end2:
_tile_overlayer_lowered:
.L_overlay_start_2:
0x2e0: {  	(tag) =	ssettag $0x2  }
0x2e1: {  	s0 =	rddreg [dreg:$0x0];
	s2 =	stileid.u32  }
0x2e2: {  	s1 =	rddreg [dreg:$0x1];
	p0 =	sne.s32 s2, $0x0  }
0x2e3: {  	s3 =	rddreg [dreg:$0x2];
	[bflag:$0x3] =	sbarrier.arrive $0xFFFF;
	s2 =	simm.s32 @!p0 $0x1C05  }
0x2e4: {  	[timem:s3], [sflag:s2] =	dma.local @!p0 [hbm:s0], s1  }
0x2e5: {  	s0 =	simm.s32 @!p0 $0x5  }
0x2e6: {  	_ =	swait.ge @!p0 [sflag:s0], s1  }
0x2e7: {  	s1 =	ssub.s32 @!p0 $0x0, s1;
	[sflag:s0] =	ssyncset.done @!p0 $0x0  }
0x2e8: {  	[sflag:s0] =	ssyncadd.s32 @!p0 s1  }
0x2e9: {  	[bflag:$0x3] =	sbarrier.arrive $0xFFFF  }
0x2ea: {  	_ =	shalt  }

</sc_bundles>
